<compile_context>
chip_gen: v7x
topology: tpu7x:2x2x1
jax: 0.10.2.dev20260603
libtpu: 0.0.44.dev20260713+nightly
codegen_flags: <defaults>
</compile_context>

<pallas_src>
import functools

import jax
import jax.numpy as jnp
from jax import lax
from jax.experimental import pallas as pl
from jax.experimental.pallas import tpu as pltpu
from jax.experimental.pallas import tpu_sc as plsc

N = 10000
NPAD = 10240
E = 160000
EPAD = 163840
F = 256
FH = 128
CH = 128
NS = 16
NC = 2
ROWS_PER_TILE = NPAD // NS
A_CHUNKS = EPAD // 32 // CH
GC = 128
GCHUNKS = EPAD // NS // GC
FQ = FH // 2

_mesh = plsc.VectorSubcoreMesh(core_axis_name="c", subcore_axis_name="s")


@functools.partial(
    pl.kernel,
    out_type=jax.ShapeDtypeStruct((NC, NPAD), jnp.float32),
    mesh=_mesh,
    scratch_types=[
        pltpu.VMEM((A_CHUNKS, CH), jnp.int32),
        pltpu.VMEM((CH,), jnp.float32),
        pltpu.VMEM_SHARED((NPAD,), jnp.float32),
    ],
)
def _deg_kernel(col4_hbm, ones_hbm, zeros_hbm, degp_hbm, colbuf, onesbuf, dacc):
    c = lax.axis_index("c")
    s = lax.axis_index("s")
    wid = c * NS + s
    pltpu.sync_copy(zeros_hbm, dacc.at[pl.ds(s * ROWS_PER_TILE, ROWS_PER_TILE)])
    pltpu.sync_copy(ones_hbm, onesbuf)
    pltpu.sync_copy(col4_hbm.at[wid], colbuf)
    plsc.subcore_barrier()

    def body(j, carry):
        pltpu.sync_copy(onesbuf, dacc.at[colbuf.at[j]], add=True)
        return carry

    lax.fori_loop(0, A_CHUNKS, body, 0)
    plsc.subcore_barrier()
    sl = pl.ds(s * ROWS_PER_TILE, ROWS_PER_TILE)
    pltpu.sync_copy(dacc.at[sl], degp_hbm.at[c, sl])


@functools.partial(
    pl.kernel,
    out_type=jax.ShapeDtypeStruct((NC, NPAD, FH), jnp.float32),
    mesh=_mesh,
    scratch_types=[
        pltpu.VMEM((GCHUNKS // 2 + 8, GC), jnp.int32),
        pltpu.VMEM((GCHUNKS // 2, GC), jnp.int32),
        pltpu.VMEM((GC, FH), jnp.float32),
        pltpu.VMEM((GC, FH), jnp.float32),
        pltpu.VMEM_SHARED((NPAD, FH), jnp.float32),
        pltpu.SemaphoreType.DMA,
        pltpu.SemaphoreType.DMA,
    ],
)
def _scatter_kernel(hs2_hbm, rowA_hbm, rowB_hbm, col3_hbm, out3_hbm,
                    rbuf, cbuf, buf0, buf1, acc, sem0, sem1):
    c = lax.axis_index("c")
    s = lax.axis_index("s")
    half = GCHUNKS // 2
    sl = pl.ds(s * ROWS_PER_TILE, ROWS_PER_TILE)
    pltpu.sync_copy(hs2_hbm.at[pl.ds(c * NPAD + s * ROWS_PER_TILE,
                                     ROWS_PER_TILE)], acc.at[sl])
    plsc.subcore_barrier()

    def gissue(j, buf, sem):
        pltpu.async_copy(hs2_hbm.at[rbuf.at[j]], buf, sem)

    def gwait(buf, sem):
        pltpu.make_async_copy(hs2_hbm.at[rbuf.at[0]], buf, sem).wait()

    for h in range(2):
        @pl.when(c == 0)
        def _():
            pltpu.sync_copy(rowA_hbm.at[s, pl.ds(h * half, half + 8)], rbuf)

        @pl.when(c == 1)
        def _():
            pltpu.sync_copy(rowB_hbm.at[s, pl.ds(h * half, half + 8)], rbuf)

        pltpu.sync_copy(col3_hbm.at[s, pl.ds(h * half, half)], cbuf)
        gissue(0, buf0, sem0)

        def body(jj, carry):
            j = 2 * jj
            gwait(buf0, sem0)
            gissue(j + 1, buf1, sem1)
            pltpu.sync_copy(buf0, acc.at[cbuf.at[j]], add=True)
            gwait(buf1, sem1)
            gissue(j + 2, buf0, sem0)
            pltpu.sync_copy(buf1, acc.at[cbuf.at[j + 1]], add=True)
            return carry

        lax.fori_loop(0, half // 2, body, 0)
        gwait(buf0, sem0)

    plsc.subcore_barrier()
    pltpu.sync_copy(acc.at[sl], out3_hbm.at[c, sl])


def _tc1_body(x_ref, w_ref, degp_ref, out_ref):
    h = jnp.dot(x_ref[...], w_ref[...], preferred_element_type=jnp.float32)
    d = degp_ref[0] + degp_ref[1] + 1.0
    dinv = lax.rsqrt(d)[:, None]
    out_ref[0] = h[:, :FH] * dinv
    out_ref[1] = h[:, FH:] * dinv


def _tc1(xpad, W, degp):
    return pl.pallas_call(
        _tc1_body,
        grid=(NPAD // 256,),
        in_specs=[
            pl.BlockSpec((256, F), lambda i: (i, 0)),
            pl.BlockSpec((F, F), lambda i: (0, 0)),
            pl.BlockSpec((NC, 256), lambda i: (0, i)),
        ],
        out_specs=pl.BlockSpec((NC, 256, FH), lambda i: (0, i, 0)),
        out_shape=jax.ShapeDtypeStruct((NC, NPAD, FH), jnp.float32),
    )(xpad, W, degp)


def _tc2_body(acc3_ref, degp_ref, b_ref, out_ref):
    d = degp_ref[0] + degp_ref[1] + 1.0
    dinv = lax.rsqrt(d)[:, None]
    b = b_ref[...]
    out_ref[:, :FH] = acc3_ref[0] * dinv + b[:FH][None, :]
    out_ref[:, FH:] = acc3_ref[1] * dinv + b[FH:][None, :]


def _tc2(acc3, degp, b):
    return pl.pallas_call(
        _tc2_body,
        grid=(NPAD // 128,),
        in_specs=[
            pl.BlockSpec((NC, 128, FH), lambda i: (0, i, 0)),
            pl.BlockSpec((NC, 128), lambda i: (0, i)),
            pl.BlockSpec((F,), lambda i: (0,)),
        ],
        out_specs=pl.BlockSpec((128, F), lambda i: (i, 0)),
        out_shape=jax.ShapeDtypeStruct((NPAD, F), jnp.float32),
    )(acc3, degp, b)


def kernel(x, edge_index, W, b):
    row = edge_index[0]
    col = edge_index[1]
    pad = jnp.full((EPAD - E,), NPAD - 1, dtype=jnp.int32)
    rowp = jnp.concatenate([row, pad])
    colp = jnp.concatenate([col, pad])
    col4 = colp.reshape(32, A_CHUNKS, CH)
    rowA = jnp.concatenate(
        [rowp.reshape(NS, GCHUNKS, GC),
         jnp.full((NS, 8, GC), NPAD - 1, dtype=jnp.int32)], axis=1)
    rowB = rowA + jnp.int32(NPAD)
    col3 = colp.reshape(NS, GCHUNKS, GC)
    xpad = jnp.zeros((NPAD, F), jnp.float32).at[:N].set(x)
    ones128 = jnp.ones((CH,), jnp.float32)
    zeros640 = jnp.zeros((ROWS_PER_TILE,), jnp.float32)

    degp = _deg_kernel(col4, ones128, zeros640)
    hs3 = _tc1(xpad, W, degp)
    hs2 = hs3.reshape(NC * NPAD, FH)
    acc3 = _scatter_kernel(hs2, rowA, rowB, col3)
    return _tc2(acc3, degp, b)[:N]

# --- scband reference (transcript-rebuilt; emitter-appended) ---
"""Pipeline reference for scband-gcnconv-59536836657836 (READ-ONLY COPY).

The authoritative reference and input builder live on the scoring server;
editing this copy changes nothing except your own understanding.
"""

import jax, jax.numpy as jnp
import numpy as np

IN_CH = 256
OUT_CH = 256
N_NODES = 10000
N_EDGES = 160000


def setup_inputs(seed: int = 0) -> dict:
    key = jax.random.key(seed)
    k1, k2, k3 = jax.random.split(key, 3)
    x = jax.random.normal(k1, (N_NODES, IN_CH), dtype=jnp.float32)
    edge_index = jax.random.randint(k2, (2, N_EDGES), 0, N_NODES, dtype=jnp.int32)
    # xavier_uniform init for weight (in_channels, out_channels)
    a = float(np.sqrt(6.0 / (IN_CH + OUT_CH)))
    W = jax.random.uniform(k3, (IN_CH, OUT_CH), dtype=jnp.float32, minval=-a, maxval=a)
    b = jnp.zeros((OUT_CH,), dtype=jnp.float32)
    return {"x": x, "edge_index": edge_index, "W": W, "b": b}


def reference(x, edge_index, W, b):
    num_nodes = x.shape[0]
    # linear transform
    x = jnp.matmul(x, W)
    # add self loops
    loop = jnp.arange(num_nodes, dtype=edge_index.dtype)
    ei = jnp.concatenate([edge_index, jnp.stack([loop, loop], axis=0)], axis=1)
    ew = jnp.ones((ei.shape[1],), dtype=x.dtype)
    row, col = ei[0], ei[1]
    # gcn_norm: D^{-1/2} A D^{-1/2}
    deg = jnp.zeros((num_nodes,), dtype=ew.dtype).at[col].add(ew)
    deg_inv_sqrt = deg ** (-0.5)
    deg_inv_sqrt = jnp.where(jnp.isinf(deg_inv_sqrt), 0.0, deg_inv_sqrt)
    ew = deg_inv_sqrt[row] * ew * deg_inv_sqrt[col]
    # message: gather source nodes, weight by normalized edge weight
    x_j = x[row] * ew[:, None]
    # aggregate: scatter-add onto destination nodes
    out = jnp.zeros((num_nodes, x.shape[1]), dtype=x.dtype).at[col].add(x_j)
    out = out + b
    return out

if __name__ == "__main__":
    import jax
    _d = setup_inputs()
    print(jax.jit(kernel)(*tuple(_d.values())))

</pallas_src>

<mosaic_0001>
#map = affine_map<(d0, d1) -> (0, 0, 0)>
#map1 = affine_map<(d0, d1) -> (0)>
#map2 = affine_map<(d0, d1) -> (0, 0)>
module attributes {stable_mosaic.version = 14 : i64} {
  func.func @_deg_kernel(%arg0: i32, %arg1: i32, %arg2: memref<32x40x128xi32, #tpu.memory_space<hbm>>, %arg3: memref<128xf32, #tpu.memory_space<hbm>>, %arg4: memref<640xf32, #tpu.memory_space<hbm>>, %arg5: memref<2x10240xf32, #tpu.memory_space<hbm>>, %arg6: memref<40x128xi32, #tpu.memory_space<vmem>>, %arg7: memref<128xf32, #tpu.memory_space<vmem>>, %arg8: memref<10240xf32, #tpu.memory_space<vmem_shared>>) attributes {dimension_semantics = [#tpu.dimension_semantics<core_parallel>, #tpu.dimension_semantics<subcore_parallel>], iteration_bounds = array<i64: 2, 16>, scalar_prefetch = 0 : i64, scratch_operands = 3 : i64, tpu.core_type = #tpu.core_type<sc_vector_subcore>, window_params = [{transform_indices = #map}, {transform_indices = #map1}, {transform_indices = #map1}, {transform_indices = #map2}]} {
    %mul3A = arith.constant 16 : i32
    %mul3A_0 = arith.muli %arg0, %mul3A : i32
    %add3A = arith.addi %mul3A_0, %arg1 : i32
    %mul3A_1 = arith.constant 640 : i32
    %mul3A_2 = arith.muli %arg1, %mul3A_1 : i32
    "tpu.region"() ({
      %run_scoped3A = tpu.sem_alloc : memref<!tpu.dma_semaphore, #tpu.memory_space<semaphore_mem>>
      %dma_start3A = tpu.memref_slice %arg8[%mul3A_2] : memref<10240xf32, #tpu.memory_space<vmem_shared>> -> memref<640xf32, #tpu.memory_space<vmem_shared>>
      tpu.enqueue_dma source(%arg4 : memref<640xf32, #tpu.memory_space<hbm>>) target(%dma_start3A : memref<640xf32, #tpu.memory_space<vmem_shared>>) target_semaphore(%run_scoped3A : memref<!tpu.dma_semaphore, #tpu.memory_space<semaphore_mem>>)
      %dma_wait3A = tpu.memref_slice %arg8[%mul3A_2] : memref<10240xf32, #tpu.memory_space<vmem_shared>> -> memref<640xf32, #tpu.memory_space<vmem_shared>>
      tpu.wait_dma2 semaphore(%run_scoped3A : memref<!tpu.dma_semaphore, #tpu.memory_space<semaphore_mem>>) src(%arg4 : memref<640xf32, #tpu.memory_space<hbm>>) dst(%dma_wait3A : memref<640xf32, #tpu.memory_space<vmem_shared>>)
      tpu.yield
    }) : () -> ()
    "tpu.region"() ({
      %run_scoped3A = tpu.sem_alloc : memref<!tpu.dma_semaphore, #tpu.memory_space<semaphore_mem>>
      tpu.enqueue_dma source(%arg3 : memref<128xf32, #tpu.memory_space<hbm>>) target(%arg7 : memref<128xf32, #tpu.memory_space<vmem>>) target_semaphore(%run_scoped3A : memref<!tpu.dma_semaphore, #tpu.memory_space<semaphore_mem>>)
      tpu.wait_dma2 semaphore(%run_scoped3A : memref<!tpu.dma_semaphore, #tpu.memory_space<semaphore_mem>>) src(%arg3 : memref<128xf32, #tpu.memory_space<hbm>>) dst(%arg7 : memref<128xf32, #tpu.memory_space<vmem>>)
      tpu.yield
    }) : () -> ()
    "tpu.region"() ({
      %run_scoped3A = tpu.sem_alloc : memref<!tpu.dma_semaphore, #tpu.memory_space<semaphore_mem>>
      %dma_start3A = arith.constant 0 : i32
      %dma_start3A_11 = arith.constant 0 : i32
      %dma_start3A_12 = tpu.memref_slice %arg2[%add3A, %dma_start3A, %dma_start3A_11] : memref<32x40x128xi32, #tpu.memory_space<hbm>> -> memref<1x40x128xi32, #tpu.memory_space<hbm>>
      %dma_start3A_13 = tpu.memref_squeeze %dma_start3A_12 : memref<1x40x128xi32, #tpu.memory_space<hbm>> -> memref<40x128xi32, #tpu.memory_space<hbm>>
      %dma_start3A_14 = arith.constant 0 : i32
      %dma_start3A_15 = arith.constant 0 : i32
      %dma_start3A_16 = tpu.memref_slice %arg2[%add3A, %dma_start3A_14, %dma_start3A_15] : memref<32x40x128xi32, #tpu.memory_space<hbm>> -> memref<1x40x128xi32, #tpu.memory_space<hbm>>
      %dma_start3A_17 = tpu.memref_squeeze %dma_start3A_16 : memref<1x40x128xi32, #tpu.memory_space<hbm>> -> memref<40x128xi32, #tpu.memory_space<hbm>>
      tpu.enqueue_dma source(%dma_start3A_17 : memref<40x128xi32, #tpu.memory_space<hbm>>) target(%arg6 : memref<40x128xi32, #tpu.memory_space<vmem>>) target_semaphore(%run_scoped3A : memref<!tpu.dma_semaphore, #tpu.memory_space<semaphore_mem>>)
      %dma_wait3A = arith.constant 0 : i32
      %dma_wait3A_18 = arith.constant 0 : i32
      %dma_wait3A_19 = tpu.memref_slice %arg2[%add3A, %dma_wait3A, %dma_wait3A_18] : memref<32x40x128xi32, #tpu.memory_space<hbm>> -> memref<1x40x128xi32, #tpu.memory_space<hbm>>
      %dma_wait3A_20 = tpu.memref_squeeze %dma_wait3A_19 : memref<1x40x128xi32, #tpu.memory_space<hbm>> -> memref<40x128xi32, #tpu.memory_space<hbm>>
      %dma_wait3A_21 = arith.constant 0 : i32
      %dma_wait3A_22 = arith.constant 0 : i32
      %dma_wait3A_23 = tpu.memref_slice %arg2[%add3A, %dma_wait3A_21, %dma_wait3A_22] : memref<32x40x128xi32, #tpu.memory_space<hbm>> -> memref<1x40x128xi32, #tpu.memory_space<hbm>>
      %dma_wait3A_24 = tpu.memref_squeeze %dma_wait3A_23 : memref<1x40x128xi32, #tpu.memory_space<hbm>> -> memref<40x128xi32, #tpu.memory_space<hbm>>
      tpu.wait_dma2 semaphore(%run_scoped3A : memref<!tpu.dma_semaphore, #tpu.memory_space<semaphore_mem>>) src(%dma_wait3A_24 : memref<40x128xi32, #tpu.memory_space<hbm>>) dst(%arg6 : memref<40x128xi32, #tpu.memory_space<vmem>>)
      tpu.yield
    }) : () -> ()
    %barrier3A = arith.constant 0 : index
    tpu.barrier barrier_id(%barrier3A)
    %scan3A = arith.constant 0 : i32
    %scan3A_3 = arith.constant 0 : i32
    %scan3A_4 = arith.constant 40 : i32
    %scan3A_5 = arith.addi %scan3A_3, %scan3A_4 : i32
    %scan3A_6 = arith.constant 1 : i32
    scf.for %scan3A_11 = %scan3A_3 to %scan3A_5 step %scan3A_6  : i32 {
      "tpu.region"() ({
        %run_scoped3A = tpu.sem_alloc : memref<!tpu.dma_semaphore, #tpu.memory_space<semaphore_mem>>
        %dma_start3A = arith.constant 0 : i32
        %dma_start3A_12 = tpu.memref_slice %arg6[%scan3A_11, %dma_start3A] : memref<40x128xi32, #tpu.memory_space<vmem>> -> memref<1x128xi32, #tpu.memory_space<vmem>>
        %dma_start3A_13 = tpu.memref_squeeze %dma_start3A_12 : memref<1x128xi32, #tpu.memory_space<vmem>> -> memref<128xi32, #tpu.memory_space<vmem>>
        %dma_start3A_14 = arith.constant 0 : i32
        %dma_start3A_15 = tpu.memref_slice %arg8[%dma_start3A_14] : memref<10240xf32, #tpu.memory_space<vmem_shared>> -> memref<10240xf32, #tpu.memory_space<vmem_shared>>
        tpu.enqueue_indirect_dma source(%arg7 : memref<128xf32, #tpu.memory_space<vmem>>) target(%dma_start3A_15 : memref<10240xf32, #tpu.memory_space<vmem_shared>>) offsets(%dma_start3A_13 : memref<128xi32, #tpu.memory_space<vmem>>) semaphore(%run_scoped3A : memref<!tpu.dma_semaphore, #tpu.memory_space<semaphore_mem>>) {add = true}
        %dma_wait3A = arith.constant 0 : i32
        %dma_wait3A_16 = tpu.memref_slice %arg6[%scan3A_11, %dma_wait3A] : memref<40x128xi32, #tpu.memory_space<vmem>> -> memref<1x128xi32, #tpu.memory_space<vmem>>
        %dma_wait3A_17 = tpu.memref_squeeze %dma_wait3A_16 : memref<1x128xi32, #tpu.memory_space<vmem>> -> memref<128xi32, #tpu.memory_space<vmem>>
        %dma_wait3A_18 = arith.constant 0 : i32
        %dma_wait3A_19 = tpu.memref_slice %arg8[%dma_wait3A_18] : memref<10240xf32, #tpu.memory_space<vmem_shared>> -> memref<10240xf32, #tpu.memory_space<vmem_shared>>
        tpu.wait_indirect_dma semaphore(%run_scoped3A : memref<!tpu.dma_semaphore, #tpu.memory_space<semaphore_mem>>) src(%arg7 : memref<128xf32, #tpu.memory_space<vmem>>) dst(%dma_wait3A_19 : memref<10240xf32, #tpu.memory_space<vmem_shared>>)
        tpu.yield
      }) : () -> ()
    }
    %scan3A_7 = arith.constant 40 : i32
    %barrier3A_8 = arith.constant 0 : index
    tpu.barrier barrier_id(%barrier3A_8)
    %mul3A_9 = arith.constant 640 : i32
    %mul3A_10 = arith.muli %arg1, %mul3A_9 : i32
    "tpu.region"() ({
      %run_scoped3A = tpu.sem_alloc : memref<!tpu.dma_semaphore, #tpu.memory_space<semaphore_mem>>
      %dma_start3A = tpu.memref_slice %arg5[%arg0, %mul3A_10] : memref<2x10240xf32, #tpu.memory_space<hbm>> -> memref<1x640xf32, #tpu.memory_space<hbm>>
      %dma_start3A_11 = tpu.memref_squeeze %dma_start3A : memref<1x640xf32, #tpu.memory_space<hbm>> -> memref<640xf32, #tpu.memory_space<hbm>>
      %dma_start3A_12 = tpu.memref_slice %arg8[%mul3A_10] : memref<10240xf32, #tpu.memory_space<vmem_shared>> -> memref<640xf32, #tpu.memory_space<vmem_shared>>
      tpu.enqueue_dma source(%dma_start3A_12 : memref<640xf32, #tpu.memory_space<vmem_shared>>) target(%dma_start3A_11 : memref<640xf32, #tpu.memory_space<hbm>>) target_semaphore(%run_scoped3A : memref<!tpu.dma_semaphore, #tpu.memory_space<semaphore_mem>>)
      %dma_wait3A = tpu.memref_slice %arg5[%arg0, %mul3A_10] : memref<2x10240xf32, #tpu.memory_space<hbm>> -> memref<1x640xf32, #tpu.memory_space<hbm>>
      %dma_wait3A_13 = tpu.memref_squeeze %dma_wait3A : memref<1x640xf32, #tpu.memory_space<hbm>> -> memref<640xf32, #tpu.memory_space<hbm>>
      %dma_wait3A_14 = tpu.memref_slice %arg8[%mul3A_10] : memref<10240xf32, #tpu.memory_space<vmem_shared>> -> memref<640xf32, #tpu.memory_space<vmem_shared>>
      tpu.wait_dma2 semaphore(%run_scoped3A : memref<!tpu.dma_semaphore, #tpu.memory_space<semaphore_mem>>) src(%dma_wait3A_14 : memref<640xf32, #tpu.memory_space<vmem_shared>>) dst(%dma_wait3A_13 : memref<640xf32, #tpu.memory_space<hbm>>)
      tpu.yield
    }) : () -> ()
    return
  }
}

#map = affine_map<(d0, d1) -> (0, 0)>
#map1 = affine_map<(d0, d1) -> (0, 0, 0)>
module attributes {stable_mosaic.version = 14 : i64} {
  func.func @_scatter_kernel(%arg0: i32, %arg1: i32, %arg2: memref<20480x128xf32, #tpu.memory_space<hbm>>, %arg3: memref<16x88x128xi32, #tpu.memory_space<hbm>>, %arg4: memref<16x88x128xi32, #tpu.memory_space<hbm>>, %arg5: memref<16x80x128xi32, #tpu.memory_space<hbm>>, %arg6: memref<2x10240x128xf32, #tpu.memory_space<hbm>>, %arg7: memref<48x128xi32, #tpu.memory_space<vmem>>, %arg8: memref<40x128xi32, #tpu.memory_space<vmem>>, %arg9: memref<128x128xf32, #tpu.memory_space<vmem>>, %arg10: memref<128x128xf32, #tpu.memory_space<vmem>>, %arg11: memref<10240x128xf32, #tpu.memory_space<vmem_shared>>, %arg12: memref<!tpu.dma_semaphore, #tpu.memory_space<semaphore_mem>>, %arg13: memref<!tpu.dma_semaphore, #tpu.memory_space<semaphore_mem>>) attributes {dimension_semantics = [#tpu.dimension_semantics<core_parallel>, #tpu.dimension_semantics<subcore_parallel>], iteration_bounds = array<i64: 2, 16>, scalar_prefetch = 0 : i64, scratch_operands = 7 : i64, tpu.core_type = #tpu.core_type<sc_vector_subcore>, window_params = [{transform_indices = #map}, {transform_indices = #map1}, {transform_indices = #map1}, {transform_indices = #map1}, {transform_indices = #map1}]} {
    %mul3A = arith.constant 640 : i32
    %mul3A_0 = arith.muli %arg1, %mul3A : i32
    %mul3A_1 = arith.constant 10240 : i32
    %mul3A_2 = arith.muli %arg0, %mul3A_1 : i32
    %mul3A_3 = arith.constant 640 : i32
    %mul3A_4 = arith.muli %arg1, %mul3A_3 : i32
    %add3A = arith.addi %mul3A_2, %mul3A_4 : i32
    "tpu.region"() ({
      %run_scoped3A = tpu.sem_alloc : memref<!tpu.dma_semaphore, #tpu.memory_space<semaphore_mem>>
      %dma_start3A_60 = arith.constant 0 : i32
      %dma_start3A_61 = tpu.memref_slice %arg11[%mul3A_0, %dma_start3A_60] : memref<10240x128xf32, #tpu.memory_space<vmem_shared>> -> memref<640x128xf32, #tpu.memory_space<vmem_shared>>
      %dma_start3A_62 = arith.constant 0 : i32
      %dma_start3A_63 = tpu.memref_slice %arg2[%add3A, %dma_start3A_62] : memref<20480x128xf32, #tpu.memory_space<hbm>> -> memref<640x128xf32, #tpu.memory_space<hbm>>
      tpu.enqueue_dma source(%dma_start3A_63 : memref<640x128xf32, #tpu.memory_space<hbm>>) target(%dma_start3A_61 : memref<640x128xf32, #tpu.memory_space<vmem_shared>>) target_semaphore(%run_scoped3A : memref<!tpu.dma_semaphore, #tpu.memory_space<semaphore_mem>>)
      %dma_wait3A_64 = arith.constant 0 : i32
      %dma_wait3A_65 = tpu.memref_slice %arg11[%mul3A_0, %dma_wait3A_64] : memref<10240x128xf32, #tpu.memory_space<vmem_shared>> -> memref<640x128xf32, #tpu.memory_space<vmem_shared>>
      %dma_wait3A_66 = arith.constant 0 : i32
      %dma_wait3A_67 = tpu.memref_slice %arg2[%add3A, %dma_wait3A_66] : memref<20480x128xf32, #tpu.memory_space<hbm>> -> memref<640x128xf32, #tpu.memory_space<hbm>>
      tpu.wait_dma2 semaphore(%run_scoped3A : memref<!tpu.dma_semaphore, #tpu.memory_space<semaphore_mem>>) src(%dma_wait3A_67 : memref<640x128xf32, #tpu.memory_space<hbm>>) dst(%dma_wait3A_65 : memref<640x128xf32, #tpu.memory_space<vmem_shared>>)
      tpu.yield
    }) : () -> ()
    %barrier3A = arith.constant 0 : index
    tpu.barrier barrier_id(%barrier3A)
    %eq3A = arith.constant 0 : i32
    %eq3A_5 = arith.cmpi eq, %arg0, %eq3A : i32
    %convert_element_type3A = arith.extui %eq3A_5 : i1 to i32
    %cond3A = arith.constant 0 : i32
    %cond3A_6 = arith.cmpi ne, %convert_element_type3A, %cond3A : i32
    scf.if %cond3A_6 {
      "tpu.region"() ({
        %run_scoped3A = tpu.sem_alloc : memref<!tpu.dma_semaphore, #tpu.memory_space<semaphore_mem>>
        %dma_start3A_60 = arith.constant 0 : i32
        %dma_start3A_61 = arith.constant 0 : i32
        %dma_start3A_62 = tpu.memref_slice %arg3[%arg1, %dma_start3A_60, %dma_start3A_61] : memref<16x88x128xi32, #tpu.memory_space<hbm>> -> memref<1x48x128xi32, #tpu.memory_space<hbm>>
        %dma_start3A_63 = tpu.memref_squeeze %dma_start3A_62 : memref<1x48x128xi32, #tpu.memory_space<hbm>> -> memref<48x128xi32, #tpu.memory_space<hbm>>
        %dma_start3A_64 = arith.constant 0 : i32
        %dma_start3A_65 = arith.constant 0 : i32
        %dma_start3A_66 = tpu.memref_slice %arg3[%arg1, %dma_start3A_64, %dma_start3A_65] : memref<16x88x128xi32, #tpu.memory_space<hbm>> -> memref<1x48x128xi32, #tpu.memory_space<hbm>>
        %dma_start3A_67 = tpu.memref_squeeze %dma_start3A_66 : memref<1x48x128xi32, #tpu.memory_space<hbm>> -> memref<48x128xi32, #tpu.memory_space<hbm>>
        tpu.enqueue_dma source(%dma_start3A_67 : memref<48x128xi32, #tpu.memory_space<hbm>>) target(%arg7 : memref<48x128xi32, #tpu.memory_space<vmem>>) target_semaphore(%run_scoped3A : memref<!tpu.dma_semaphore, #tpu.memory_space<semaphore_mem>>)
        %dma_wait3A_68 = arith.constant 0 : i32
        %dma_wait3A_69 = arith.constant 0 : i32
        %dma_wait3A_70 = tpu.memref_slice %arg3[%arg1, %dma_wait3A_68, %dma_wait3A_69] : memref<16x88x128xi32, #tpu.memory_space<hbm>> -> memref<1x48x128xi32, #tpu.memory_space<hbm>>
        %dma_wait3A_71 = tpu.memref_squeeze %dma_wait3A_70 : memref<1x48x128xi32, #tpu.memory_space<hbm>> -> memref<48x128xi32, #tpu.memory_space<hbm>>
        %dma_wait3A_72 = arith.constant 0 : i32
        %dma_wait3A_73 = arith.constant 0 : i32
        %dma_wait3A_74 = tpu.memref_slice %arg3[%arg1, %dma_wait3A_72, %dma_wait3A_73] : memref<16x88x128xi32, #tpu.memory_space<hbm>> -> memref<1x48x128xi32, #tpu.memory_space<hbm>>
        %dma_wait3A_75 = tpu.memref_squeeze %dma_wait3A_74 : memref<1x48x128xi32, #tpu.memory_space<hbm>> -> memref<48x128xi32, #tpu.memory_space<hbm>>
        tpu.wait_dma2 semaphore(%run_scoped3A : memref<!tpu.dma_semaphore, #tpu.memory_space<semaphore_mem>>) src(%dma_wait3A_75 : memref<48x128xi32, #tpu.memory_space<hbm>>) dst(%arg7 : memref<48x128xi32, #tpu.memory_space<vmem>>)
        tpu.yield
      }) : () -> ()
    } else {
    }
    %eq3A_7 = arith.constant 1 : i32
    %eq3A_8 = arith.cmpi eq, %arg0, %eq3A_7 : i32
    %convert_element_type3A_9 = arith.extui %eq3A_8 : i1 to i32
    %cond3A_10 = arith.constant 0 : i32
    %cond3A_11 = arith.cmpi ne, %convert_element_type3A_9, %cond3A_10 : i32
    scf.if %cond3A_11 {
      "tpu.region"() ({
        %run_scoped3A = tpu.sem_alloc : memref<!tpu.dma_semaphore, #tpu.memory_space<semaphore_mem>>
        %dma_start3A_60 = arith.constant 0 : i32
        %dma_start3A_61 = arith.constant 0 : i32
        %dma_start3A_62 = tpu.memref_slice %arg4[%arg1, %dma_start3A_60, %dma_start3A_61] : memref<16x88x128xi32, #tpu.memory_space<hbm>> -> memref<1x48x128xi32, #tpu.memory_space<hbm>>
        %dma_start3A_63 = tpu.memref_squeeze %dma_start3A_62 : memref<1x48x128xi32, #tpu.memory_space<hbm>> -> memref<48x128xi32, #tpu.memory_space<hbm>>
        %dma_start3A_64 = arith.constant 0 : i32
        %dma_start3A_65 = arith.constant 0 : i32
        %dma_start3A_66 = tpu.memref_slice %arg4[%arg1, %dma_start3A_64, %dma_start3A_65] : memref<16x88x128xi32, #tpu.memory_space<hbm>> -> memref<1x48x128xi32, #tpu.memory_space<hbm>>
        %dma_start3A_67 = tpu.memref_squeeze %dma_start3A_66 : memref<1x48x128xi32, #tpu.memory_space<hbm>> -> memref<48x128xi32, #tpu.memory_space<hbm>>
        tpu.enqueue_dma source(%dma_start3A_67 : memref<48x128xi32, #tpu.memory_space<hbm>>) target(%arg7 : memref<48x128xi32, #tpu.memory_space<vmem>>) target_semaphore(%run_scoped3A : memref<!tpu.dma_semaphore, #tpu.memory_space<semaphore_mem>>)
        %dma_wait3A_68 = arith.constant 0 : i32
        %dma_wait3A_69 = arith.constant 0 : i32
        %dma_wait3A_70 = tpu.memref_slice %arg4[%arg1, %dma_wait3A_68, %dma_wait3A_69] : memref<16x88x128xi32, #tpu.memory_space<hbm>> -> memref<1x48x128xi32, #tpu.memory_space<hbm>>
        %dma_wait3A_71 = tpu.memref_squeeze %dma_wait3A_70 : memref<1x48x128xi32, #tpu.memory_space<hbm>> -> memref<48x128xi32, #tpu.memory_space<hbm>>
        %dma_wait3A_72 = arith.constant 0 : i32
        %dma_wait3A_73 = arith.constant 0 : i32
        %dma_wait3A_74 = tpu.memref_slice %arg4[%arg1, %dma_wait3A_72, %dma_wait3A_73] : memref<16x88x128xi32, #tpu.memory_space<hbm>> -> memref<1x48x128xi32, #tpu.memory_space<hbm>>
        %dma_wait3A_75 = tpu.memref_squeeze %dma_wait3A_74 : memref<1x48x128xi32, #tpu.memory_space<hbm>> -> memref<48x128xi32, #tpu.memory_space<hbm>>
        tpu.wait_dma2 semaphore(%run_scoped3A : memref<!tpu.dma_semaphore, #tpu.memory_space<semaphore_mem>>) src(%dma_wait3A_75 : memref<48x128xi32, #tpu.memory_space<hbm>>) dst(%arg7 : memref<48x128xi32, #tpu.memory_space<vmem>>)
        tpu.yield
      }) : () -> ()
    } else {
    }
    "tpu.region"() ({
      %run_scoped3A = tpu.sem_alloc : memref<!tpu.dma_semaphore, #tpu.memory_space<semaphore_mem>>
      %dma_start3A_60 = arith.constant 0 : i32
      %dma_start3A_61 = arith.constant 0 : i32
      %dma_start3A_62 = tpu.memref_slice %arg5[%arg1, %dma_start3A_60, %dma_start3A_61] : memref<16x80x128xi32, #tpu.memory_space<hbm>> -> memref<1x40x128xi32, #tpu.memory_space<hbm>>
      %dma_start3A_63 = tpu.memref_squeeze %dma_start3A_62 : memref<1x40x128xi32, #tpu.memory_space<hbm>> -> memref<40x128xi32, #tpu.memory_space<hbm>>
      %dma_start3A_64 = arith.constant 0 : i32
      %dma_start3A_65 = arith.constant 0 : i32
      %dma_start3A_66 = tpu.memref_slice %arg5[%arg1, %dma_start3A_64, %dma_start3A_65] : memref<16x80x128xi32, #tpu.memory_space<hbm>> -> memref<1x40x128xi32, #tpu.memory_space<hbm>>
      %dma_start3A_67 = tpu.memref_squeeze %dma_start3A_66 : memref<1x40x128xi32, #tpu.memory_space<hbm>> -> memref<40x128xi32, #tpu.memory_space<hbm>>
      tpu.enqueue_dma source(%dma_start3A_67 : memref<40x128xi32, #tpu.memory_space<hbm>>) target(%arg8 : memref<40x128xi32, #tpu.memory_space<vmem>>) target_semaphore(%run_scoped3A : memref<!tpu.dma_semaphore, #tpu.memory_space<semaphore_mem>>)
      %dma_wait3A_68 = arith.constant 0 : i32
      %dma_wait3A_69 = arith.constant 0 : i32
      %dma_wait3A_70 = tpu.memref_slice %arg5[%arg1, %dma_wait3A_68, %dma_wait3A_69] : memref<16x80x128xi32, #tpu.memory_space<hbm>> -> memref<1x40x128xi32, #tpu.memory_space<hbm>>
      %dma_wait3A_71 = tpu.memref_squeeze %dma_wait3A_70 : memref<1x40x128xi32, #tpu.memory_space<hbm>> -> memref<40x128xi32, #tpu.memory_space<hbm>>
      %dma_wait3A_72 = arith.constant 0 : i32
      %dma_wait3A_73 = arith.constant 0 : i32
      %dma_wait3A_74 = tpu.memref_slice %arg5[%arg1, %dma_wait3A_72, %dma_wait3A_73] : memref<16x80x128xi32, #tpu.memory_space<hbm>> -> memref<1x40x128xi32, #tpu.memory_space<hbm>>
      %dma_wait3A_75 = tpu.memref_squeeze %dma_wait3A_74 : memref<1x40x128xi32, #tpu.memory_space<hbm>> -> memref<40x128xi32, #tpu.memory_space<hbm>>
      tpu.wait_dma2 semaphore(%run_scoped3A : memref<!tpu.dma_semaphore, #tpu.memory_space<semaphore_mem>>) src(%dma_wait3A_75 : memref<40x128xi32, #tpu.memory_space<hbm>>) dst(%arg8 : memref<40x128xi32, #tpu.memory_space<vmem>>)
      tpu.yield
    }) : () -> ()
    %dma_start3A = arith.constant 0 : i32
    %dma_start3A_12 = arith.constant 0 : i32
    %dma_start3A_13 = tpu.memref_slice %arg7[%dma_start3A, %dma_start3A_12] : memref<48x128xi32, #tpu.memory_space<vmem>> -> memref<1x128xi32, #tpu.memory_space<vmem>>
    %dma_start3A_14 = tpu.memref_squeeze %dma_start3A_13 : memref<1x128xi32, #tpu.memory_space<vmem>> -> memref<128xi32, #tpu.memory_space<vmem>>
    %dma_start3A_15 = arith.constant 0 : i32
    %dma_start3A_16 = arith.constant 0 : i32
    %dma_start3A_17 = tpu.memref_slice %arg2[%dma_start3A_15, %dma_start3A_16] : memref<20480x128xf32, #tpu.memory_space<hbm>> -> memref<20480x128xf32, #tpu.memory_space<hbm>>
    tpu.enqueue_indirect_dma source(%dma_start3A_17 : memref<20480x128xf32, #tpu.memory_space<hbm>>) target(%arg9 : memref<128x128xf32, #tpu.memory_space<vmem>>) offsets(%dma_start3A_14 : memref<128xi32, #tpu.memory_space<vmem>>) semaphore(%arg12 : memref<!tpu.dma_semaphore, #tpu.memory_space<semaphore_mem>>)
    %scan3A = arith.constant 0 : i32
    %scan3A_18 = arith.constant 0 : i32
    %scan3A_19 = arith.constant 20 : i32
    %scan3A_20 = arith.addi %scan3A_18, %scan3A_19 : i32
    %scan3A_21 = arith.constant 1 : i32
    scf.for %scan3A_60 = %scan3A_18 to %scan3A_20 step %scan3A_21  : i32 {
      %mul3A_61 = arith.constant 2 : i32
      %mul3A_62 = arith.muli %mul3A_61, %scan3A_60 : i32
      %dma_wait3A_63 = arith.constant 0 : i32
      %dma_wait3A_64 = arith.constant 0 : i32
      %dma_wait3A_65 = tpu.memref_slice %arg7[%dma_wait3A_63, %dma_wait3A_64] : memref<48x128xi32, #tpu.memory_space<vmem>> -> memref<1x128xi32, #tpu.memory_space<vmem>>
      %dma_wait3A_66 = tpu.memref_squeeze %dma_wait3A_65 : memref<1x128xi32, #tpu.memory_space<vmem>> -> memref<128xi32, #tpu.memory_space<vmem>>
      %dma_wait3A_67 = arith.constant 0 : i32
      %dma_wait3A_68 = arith.constant 0 : i32
      %dma_wait3A_69 = tpu.memref_slice %arg2[%dma_wait3A_67, %dma_wait3A_68] : memref<20480x128xf32, #tpu.memory_space<hbm>> -> memref<20480x128xf32, #tpu.memory_space<hbm>>
      tpu.wait_indirect_dma semaphore(%arg12 : memref<!tpu.dma_semaphore, #tpu.memory_space<semaphore_mem>>) src(%dma_wait3A_69 : memref<20480x128xf32, #tpu.memory_space<hbm>>) dst(%arg9 : memref<128x128xf32, #tpu.memory_space<vmem>>)
      %add3A_70 = arith.constant 1 : i32
      %add3A_71 = arith.addi %mul3A_62, %add3A_70 : i32
      %dma_start3A_72 = arith.constant 0 : i32
      %dma_start3A_73 = tpu.memref_slice %arg7[%add3A_71, %dma_start3A_72] : memref<48x128xi32, #tpu.memory_space<vmem>> -> memref<1x128xi32, #tpu.memory_space<vmem>>
      %dma_start3A_74 = tpu.memref_squeeze %dma_start3A_73 : memref<1x128xi32, #tpu.memory_space<vmem>> -> memref<128xi32, #tpu.memory_space<vmem>>
      %dma_start3A_75 = arith.constant 0 : i32
      %dma_start3A_76 = arith.constant 0 : i32
      %dma_start3A_77 = tpu.memref_slice %arg2[%dma_start3A_75, %dma_start3A_76] : memref<20480x128xf32, #tpu.memory_space<hbm>> -> memref<20480x128xf32, #tpu.memory_space<hbm>>
      tpu.enqueue_indirect_dma source(%dma_start3A_77 : memref<20480x128xf32, #tpu.memory_space<hbm>>) target(%arg10 : memref<128x128xf32, #tpu.memory_space<vmem>>) offsets(%dma_start3A_74 : memref<128xi32, #tpu.memory_space<vmem>>) semaphore(%arg13 : memref<!tpu.dma_semaphore, #tpu.memory_space<semaphore_mem>>)
      "tpu.region"() ({
        %run_scoped3A = tpu.sem_alloc : memref<!tpu.dma_semaphore, #tpu.memory_space<semaphore_mem>>
        %dma_start3A_95 = arith.constant 0 : i32
        %dma_start3A_96 = tpu.memref_slice %arg8[%mul3A_62, %dma_start3A_95] : memref<40x128xi32, #tpu.memory_space<vmem>> -> memref<1x128xi32, #tpu.memory_space<vmem>>
        %dma_start3A_97 = tpu.memref_squeeze %dma_start3A_96 : memref<1x128xi32, #tpu.memory_space<vmem>> -> memref<128xi32, #tpu.memory_space<vmem>>
        %dma_start3A_98 = arith.constant 0 : i32
        %dma_start3A_99 = arith.constant 0 : i32
        %dma_start3A_100 = tpu.memref_slice %arg11[%dma_start3A_98, %dma_start3A_99] : memref<10240x128xf32, #tpu.memory_space<vmem_shared>> -> memref<10240x128xf32, #tpu.memory_space<vmem_shared>>
        tpu.enqueue_indirect_dma source(%arg9 : memref<128x128xf32, #tpu.memory_space<vmem>>) target(%dma_start3A_100 : memref<10240x128xf32, #tpu.memory_space<vmem_shared>>) offsets(%dma_start3A_97 : memref<128xi32, #tpu.memory_space<vmem>>) semaphore(%run_scoped3A : memref<!tpu.dma_semaphore, #tpu.memory_space<semaphore_mem>>) {add = true}
        %dma_wait3A_101 = arith.constant 0 : i32
        %dma_wait3A_102 = tpu.memref_slice %arg8[%mul3A_62, %dma_wait3A_101] : memref<40x128xi32, #tpu.memory_space<vmem>> -> memref<1x128xi32, #tpu.memory_space<vmem>>
        %dma_wait3A_103 = tpu.memref_squeeze %dma_wait3A_102 : memref<1x128xi32, #tpu.memory_space<vmem>> -> memref<128xi32, #tpu.memory_space<vmem>>
        %dma_wait3A_104 = arith.constant 0 : i32
        %dma_wait3A_105 = arith.constant 0 : i32
        %dma_wait3A_106 = tpu.memref_slice %arg11[%dma_wait3A_104, %dma_wait3A_105] : memref<10240x128xf32, #tpu.memory_space<vmem_shared>> -> memref<10240x128xf32, #tpu.memory_space<vmem_shared>>
        tpu.wait_indirect_dma semaphore(%run_scoped3A : memref<!tpu.dma_semaphore, #tpu.memory_space<semaphore_mem>>) src(%arg9 : memref<128x128xf32, #tpu.memory_space<vmem>>) dst(%dma_wait3A_106 : memref<10240x128xf32, #tpu.memory_space<vmem_shared>>)
        tpu.yield
      }) : () -> ()
      %dma_wait3A_78 = arith.constant 0 : i32
      %dma_wait3A_79 = arith.constant 0 : i32
      %dma_wait3A_80 = tpu.memref_slice %arg7[%dma_wait3A_78, %dma_wait3A_79] : memref<48x128xi32, #tpu.memory_space<vmem>> -> memref<1x128xi32, #tpu.memory_space<vmem>>
      %dma_wait3A_81 = tpu.memref_squeeze %dma_wait3A_80 : memref<1x128xi32, #tpu.memory_space<vmem>> -> memref<128xi32, #tpu.memory_space<vmem>>
      %dma_wait3A_82 = arith.constant 0 : i32
      %dma_wait3A_83 = arith.constant 0 : i32
      %dma_wait3A_84 = tpu.memref_slice %arg2[%dma_wait3A_82, %dma_wait3A_83] : memref<20480x128xf32, #tpu.memory_space<hbm>> -> memref<20480x128xf32, #tpu.memory_space<hbm>>
      tpu.wait_indirect_dma semaphore(%arg13 : memref<!tpu.dma_semaphore, #tpu.memory_space<semaphore_mem>>) src(%dma_wait3A_84 : memref<20480x128xf32, #tpu.memory_space<hbm>>) dst(%arg10 : memref<128x128xf32, #tpu.memory_space<vmem>>)
      %add3A_85 = arith.constant 2 : i32
      %add3A_86 = arith.addi %mul3A_62, %add3A_85 : i32
      %dma_start3A_87 = arith.constant 0 : i32
      %dma_start3A_88 = tpu.memref_slice %arg7[%add3A_86, %dma_start3A_87] : memref<48x128xi32, #tpu.memory_space<vmem>> -> memref<1x128xi32, #tpu.memory_space<vmem>>
      %dma_start3A_89 = tpu.memref_squeeze %dma_start3A_88 : memref<1x128xi32, #tpu.memory_space<vmem>> -> memref<128xi32, #tpu.memory_space<vmem>>
      %dma_start3A_90 = arith.constant 0 : i32
      %dma_start3A_91 = arith.constant 0 : i32
      %dma_start3A_92 = tpu.memref_slice %arg2[%dma_start3A_90, %dma_start3A_91] : memref<20480x128xf32, #tpu.memory_space<hbm>> -> memref<20480x128xf32, #tpu.memory_space<hbm>>
      tpu.enqueue_indirect_dma source(%dma_start3A_92 : memref<20480x128xf32, #tpu.memory_space<hbm>>) target(%arg9 : memref<128x128xf32, #tpu.memory_space<vmem>>) offsets(%dma_start3A_89 : memref<128xi32, #tpu.memory_space<vmem>>) semaphore(%arg12 : memref<!tpu.dma_semaphore, #tpu.memory_space<semaphore_mem>>)
      %add3A_93 = arith.constant 1 : i32
      %add3A_94 = arith.addi %mul3A_62, %add3A_93 : i32
      "tpu.region"() ({
        %run_scoped3A = tpu.sem_alloc : memref<!tpu.dma_semaphore, #tpu.memory_space<semaphore_mem>>
        %dma_start3A_95 = arith.constant 0 : i32
        %dma_start3A_96 = tpu.memref_slice %arg8[%add3A_94, %dma_start3A_95] : memref<40x128xi32, #tpu.memory_space<vmem>> -> memref<1x128xi32, #tpu.memory_space<vmem>>
        %dma_start3A_97 = tpu.memref_squeeze %dma_start3A_96 : memref<1x128xi32, #tpu.memory_space<vmem>> -> memref<128xi32, #tpu.memory_space<vmem>>
        %dma_start3A_98 = arith.constant 0 : i32
        %dma_start3A_99 = arith.constant 0 : i32
        %dma_start3A_100 = tpu.memref_slice %arg11[%dma_start3A_98, %dma_start3A_99] : memref<10240x128xf32, #tpu.memory_space<vmem_shared>> -> memref<10240x128xf32, #tpu.memory_space<vmem_shared>>
        tpu.enqueue_indirect_dma source(%arg10 : memref<128x128xf32, #tpu.memory_space<vmem>>) target(%dma_start3A_100 : memref<10240x128xf32, #tpu.memory_space<vmem_shared>>) offsets(%dma_start3A_97 : memref<128xi32, #tpu.memory_space<vmem>>) semaphore(%run_scoped3A : memref<!tpu.dma_semaphore, #tpu.memory_space<semaphore_mem>>) {add = true}
        %dma_wait3A_101 = arith.constant 0 : i32
        %dma_wait3A_102 = tpu.memref_slice %arg8[%add3A_94, %dma_wait3A_101] : memref<40x128xi32, #tpu.memory_space<vmem>> -> memref<1x128xi32, #tpu.memory_space<vmem>>
        %dma_wait3A_103 = tpu.memref_squeeze %dma_wait3A_102 : memref<1x128xi32, #tpu.memory_space<vmem>> -> memref<128xi32, #tpu.memory_space<vmem>>
        %dma_wait3A_104 = arith.constant 0 : i32
        %dma_wait3A_105 = arith.constant 0 : i32
        %dma_wait3A_106 = tpu.memref_slice %arg11[%dma_wait3A_104, %dma_wait3A_105] : memref<10240x128xf32, #tpu.memory_space<vmem_shared>> -> memref<10240x128xf32, #tpu.memory_space<vmem_shared>>
        tpu.wait_indirect_dma semaphore(%run_scoped3A : memref<!tpu.dma_semaphore, #tpu.memory_space<semaphore_mem>>) src(%arg10 : memref<128x128xf32, #tpu.memory_space<vmem>>) dst(%dma_wait3A_106 : memref<10240x128xf32, #tpu.memory_space<vmem_shared>>)
        tpu.yield
      }) : () -> ()
    }
    %scan3A_22 = arith.constant 20 : i32
    %dma_wait3A = arith.constant 0 : i32
    %dma_wait3A_23 = arith.constant 0 : i32
    %dma_wait3A_24 = tpu.memref_slice %arg7[%dma_wait3A, %dma_wait3A_23] : memref<48x128xi32, #tpu.memory_space<vmem>> -> memref<1x128xi32, #tpu.memory_space<vmem>>
    %dma_wait3A_25 = tpu.memref_squeeze %dma_wait3A_24 : memref<1x128xi32, #tpu.memory_space<vmem>> -> memref<128xi32, #tpu.memory_space<vmem>>
    %dma_wait3A_26 = arith.constant 0 : i32
    %dma_wait3A_27 = arith.constant 0 : i32
    %dma_wait3A_28 = tpu.memref_slice %arg2[%dma_wait3A_26, %dma_wait3A_27] : memref<20480x128xf32, #tpu.memory_space<hbm>> -> memref<20480x128xf32, #tpu.memory_space<hbm>>
    tpu.wait_indirect_dma semaphore(%arg12 : memref<!tpu.dma_semaphore, #tpu.memory_space<semaphore_mem>>) src(%dma_wait3A_28 : memref<20480x128xf32, #tpu.memory_space<hbm>>) dst(%arg9 : memref<128x128xf32, #tpu.memory_space<vmem>>)
    %eq3A_29 = arith.constant 0 : i32
    %eq3A_30 = arith.cmpi eq, %arg0, %eq3A_29 : i32
    %convert_element_type3A_31 = arith.extui %eq3A_30 : i1 to i32
    %cond3A_32 = arith.constant 0 : i32
    %cond3A_33 = arith.cmpi ne, %convert_element_type3A_31, %cond3A_32 : i32
    scf.if %cond3A_33 {
      "tpu.region"() ({
        %run_scoped3A = tpu.sem_alloc : memref<!tpu.dma_semaphore, #tpu.memory_space<semaphore_mem>>
        %dma_start3A_60 = arith.constant 40 : i32
        %dma_start3A_61 = arith.constant 0 : i32
        %dma_start3A_62 = tpu.memref_slice %arg3[%arg1, %dma_start3A_60, %dma_start3A_61] : memref<16x88x128xi32, #tpu.memory_space<hbm>> -> memref<1x48x128xi32, #tpu.memory_space<hbm>>
        %dma_start3A_63 = tpu.memref_squeeze %dma_start3A_62 : memref<1x48x128xi32, #tpu.memory_space<hbm>> -> memref<48x128xi32, #tpu.memory_space<hbm>>
        %dma_start3A_64 = arith.constant 40 : i32
        %dma_start3A_65 = arith.constant 0 : i32
        %dma_start3A_66 = tpu.memref_slice %arg3[%arg1, %dma_start3A_64, %dma_start3A_65] : memref<16x88x128xi32, #tpu.memory_space<hbm>> -> memref<1x48x128xi32, #tpu.memory_space<hbm>>
        %dma_start3A_67 = tpu.memref_squeeze %dma_start3A_66 : memref<1x48x128xi32, #tpu.memory_space<hbm>> -> memref<48x128xi32, #tpu.memory_space<hbm>>
        tpu.enqueue_dma source(%dma_start3A_67 : memref<48x128xi32, #tpu.memory_space<hbm>>) target(%arg7 : memref<48x128xi32, #tpu.memory_space<vmem>>) target_semaphore(%run_scoped3A : memref<!tpu.dma_semaphore, #tpu.memory_space<semaphore_mem>>)
        %dma_wait3A_68 = arith.constant 40 : i32
        %dma_wait3A_69 = arith.constant 0 : i32
        %dma_wait3A_70 = tpu.memref_slice %arg3[%arg1, %dma_wait3A_68, %dma_wait3A_69] : memref<16x88x128xi32, #tpu.memory_space<hbm>> -> memref<1x48x128xi32, #tpu.memory_space<hbm>>
        %dma_wait3A_71 = tpu.memref_squeeze %dma_wait3A_70 : memref<1x48x128xi32, #tpu.memory_space<hbm>> -> memref<48x128xi32, #tpu.memory_space<hbm>>
        %dma_wait3A_72 = arith.constant 40 : i32
        %dma_wait3A_73 = arith.constant 0 : i32
        %dma_wait3A_74 = tpu.memref_slice %arg3[%arg1, %dma_wait3A_72, %dma_wait3A_73] : memref<16x88x128xi32, #tpu.memory_space<hbm>> -> memref<1x48x128xi32, #tpu.memory_space<hbm>>
        %dma_wait3A_75 = tpu.memref_squeeze %dma_wait3A_74 : memref<1x48x128xi32, #tpu.memory_space<hbm>> -> memref<48x128xi32, #tpu.memory_space<hbm>>
        tpu.wait_dma2 semaphore(%run_scoped3A : memref<!tpu.dma_semaphore, #tpu.memory_space<semaphore_mem>>) src(%dma_wait3A_75 : memref<48x128xi32, #tpu.memory_space<hbm>>) dst(%arg7 : memref<48x128xi32, #tpu.memory_space<vmem>>)
        tpu.yield
      }) : () -> ()
    } else {
    }
    %eq3A_34 = arith.constant 1 : i32
    %eq3A_35 = arith.cmpi eq, %arg0, %eq3A_34 : i32
    %convert_element_type3A_36 = arith.extui %eq3A_35 : i1 to i32
    %cond3A_37 = arith.constant 0 : i32
    %cond3A_38 = arith.cmpi ne, %convert_element_type3A_36, %cond3A_37 : i32
    scf.if %cond3A_38 {
      "tpu.region"() ({
        %run_scoped3A = tpu.sem_alloc : memref<!tpu.dma_semaphore, #tpu.memory_space<semaphore_mem>>
        %dma_start3A_60 = arith.constant 40 : i32
        %dma_start3A_61 = arith.constant 0 : i32
        %dma_start3A_62 = tpu.memref_slice %arg4[%arg1, %dma_start3A_60, %dma_start3A_61] : memref<16x88x128xi32, #tpu.memory_space<hbm>> -> memref<1x48x128xi32, #tpu.memory_space<hbm>>
        %dma_start3A_63 = tpu.memref_squeeze %dma_start3A_62 : memref<1x48x128xi32, #tpu.memory_space<hbm>> -> memref<48x128xi32, #tpu.memory_space<hbm>>
        %dma_start3A_64 = arith.constant 40 : i32
        %dma_start3A_65 = arith.constant 0 : i32
        %dma_start3A_66 = tpu.memref_slice %arg4[%arg1, %dma_start3A_64, %dma_start3A_65] : memref<16x88x128xi32, #tpu.memory_space<hbm>> -> memref<1x48x128xi32, #tpu.memory_space<hbm>>
        %dma_start3A_67 = tpu.memref_squeeze %dma_start3A_66 : memref<1x48x128xi32, #tpu.memory_space<hbm>> -> memref<48x128xi32, #tpu.memory_space<hbm>>
        tpu.enqueue_dma source(%dma_start3A_67 : memref<48x128xi32, #tpu.memory_space<hbm>>) target(%arg7 : memref<48x128xi32, #tpu.memory_space<vmem>>) target_semaphore(%run_scoped3A : memref<!tpu.dma_semaphore, #tpu.memory_space<semaphore_mem>>)
        %dma_wait3A_68 = arith.constant 40 : i32
        %dma_wait3A_69 = arith.constant 0 : i32
        %dma_wait3A_70 = tpu.memref_slice %arg4[%arg1, %dma_wait3A_68, %dma_wait3A_69] : memref<16x88x128xi32, #tpu.memory_space<hbm>> -> memref<1x48x128xi32, #tpu.memory_space<hbm>>
        %dma_wait3A_71 = tpu.memref_squeeze %dma_wait3A_70 : memref<1x48x128xi32, #tpu.memory_space<hbm>> -> memref<48x128xi32, #tpu.memory_space<hbm>>
        %dma_wait3A_72 = arith.constant 40 : i32
        %dma_wait3A_73 = arith.constant 0 : i32
        %dma_wait3A_74 = tpu.memref_slice %arg4[%arg1, %dma_wait3A_72, %dma_wait3A_73] : memref<16x88x128xi32, #tpu.memory_space<hbm>> -> memref<1x48x128xi32, #tpu.memory_space<hbm>>
        %dma_wait3A_75 = tpu.memref_squeeze %dma_wait3A_74 : memref<1x48x128xi32, #tpu.memory_space<hbm>> -> memref<48x128xi32, #tpu.memory_space<hbm>>
        tpu.wait_dma2 semaphore(%run_scoped3A : memref<!tpu.dma_semaphore, #tpu.memory_space<semaphore_mem>>) src(%dma_wait3A_75 : memref<48x128xi32, #tpu.memory_space<hbm>>) dst(%arg7 : memref<48x128xi32, #tpu.memory_space<vmem>>)
        tpu.yield
      }) : () -> ()
    } else {
    }
    "tpu.region"() ({
      %run_scoped3A = tpu.sem_alloc : memref<!tpu.dma_semaphore, #tpu.memory_space<semaphore_mem>>
      %dma_start3A_60 = arith.constant 40 : i32
      %dma_start3A_61 = arith.constant 0 : i32
      %dma_start3A_62 = tpu.memref_slice %arg5[%arg1, %dma_start3A_60, %dma_start3A_61] : memref<16x80x128xi32, #tpu.memory_space<hbm>> -> memref<1x40x128xi32, #tpu.memory_space<hbm>>
      %dma_start3A_63 = tpu.memref_squeeze %dma_start3A_62 : memref<1x40x128xi32, #tpu.memory_space<hbm>> -> memref<40x128xi32, #tpu.memory_space<hbm>>
      %dma_start3A_64 = arith.constant 40 : i32
      %dma_start3A_65 = arith.constant 0 : i32
      %dma_start3A_66 = tpu.memref_slice %arg5[%arg1, %dma_start3A_64, %dma_start3A_65] : memref<16x80x128xi32, #tpu.memory_space<hbm>> -> memref<1x40x128xi32, #tpu.memory_space<hbm>>
      %dma_start3A_67 = tpu.memref_squeeze %dma_start3A_66 : memref<1x40x128xi32, #tpu.memory_space<hbm>> -> memref<40x128xi32, #tpu.memory_space<hbm>>
      tpu.enqueue_dma source(%dma_start3A_67 : memref<40x128xi32, #tpu.memory_space<hbm>>) target(%arg8 : memref<40x128xi32, #tpu.memory_space<vmem>>) target_semaphore(%run_scoped3A : memref<!tpu.dma_semaphore, #tpu.memory_space<semaphore_mem>>)
      %dma_wait3A_68 = arith.constant 40 : i32
      %dma_wait3A_69 = arith.constant 0 : i32
      %dma_wait3A_70 = tpu.memref_slice %arg5[%arg1, %dma_wait3A_68, %dma_wait3A_69] : memref<16x80x128xi32, #tpu.memory_space<hbm>> -> memref<1x40x128xi32, #tpu.memory_space<hbm>>
      %dma_wait3A_71 = tpu.memref_squeeze %dma_wait3A_70 : memref<1x40x128xi32, #tpu.memory_space<hbm>> -> memref<40x128xi32, #tpu.memory_space<hbm>>
      %dma_wait3A_72 = arith.constant 40 : i32
      %dma_wait3A_73 = arith.constant 0 : i32
      %dma_wait3A_74 = tpu.memref_slice %arg5[%arg1, %dma_wait3A_72, %dma_wait3A_73] : memref<16x80x128xi32, #tpu.memory_space<hbm>> -> memref<1x40x128xi32, #tpu.memory_space<hbm>>
      %dma_wait3A_75 = tpu.memref_squeeze %dma_wait3A_74 : memref<1x40x128xi32, #tpu.memory_space<hbm>> -> memref<40x128xi32, #tpu.memory_space<hbm>>
      tpu.wait_dma2 semaphore(%run_scoped3A : memref<!tpu.dma_semaphore, #tpu.memory_space<semaphore_mem>>) src(%dma_wait3A_75 : memref<40x128xi32, #tpu.memory_space<hbm>>) dst(%arg8 : memref<40x128xi32, #tpu.memory_space<vmem>>)
      tpu.yield
    }) : () -> ()
    %dma_start3A_39 = arith.constant 0 : i32
    %dma_start3A_40 = arith.constant 0 : i32
    %dma_start3A_41 = tpu.memref_slice %arg7[%dma_start3A_39, %dma_start3A_40] : memref<48x128xi32, #tpu.memory_space<vmem>> -> memref<1x128xi32, #tpu.memory_space<vmem>>
    %dma_start3A_42 = tpu.memref_squeeze %dma_start3A_41 : memref<1x128xi32, #tpu.memory_space<vmem>> -> memref<128xi32, #tpu.memory_space<vmem>>
    %dma_start3A_43 = arith.constant 0 : i32
    %dma_start3A_44 = arith.constant 0 : i32
    %dma_start3A_45 = tpu.memref_slice %arg2[%dma_start3A_43, %dma_start3A_44] : memref<20480x128xf32, #tpu.memory_space<hbm>> -> memref<20480x128xf32, #tpu.memory_space<hbm>>
    tpu.enqueue_indirect_dma source(%dma_start3A_45 : memref<20480x128xf32, #tpu.memory_space<hbm>>) target(%arg9 : memref<128x128xf32, #tpu.memory_space<vmem>>) offsets(%dma_start3A_42 : memref<128xi32, #tpu.memory_space<vmem>>) semaphore(%arg12 : memref<!tpu.dma_semaphore, #tpu.memory_space<semaphore_mem>>)
    %scan3A_46 = arith.constant 0 : i32
    %scan3A_47 = arith.constant 0 : i32
    %scan3A_48 = arith.constant 20 : i32
    %scan3A_49 = arith.addi %scan3A_47, %scan3A_48 : i32
    %scan3A_50 = arith.constant 1 : i32
    scf.for %scan3A_60 = %scan3A_47 to %scan3A_49 step %scan3A_50  : i32 {
      %mul3A_61 = arith.constant 2 : i32
      %mul3A_62 = arith.muli %mul3A_61, %scan3A_60 : i32
      %dma_wait3A_63 = arith.constant 0 : i32
      %dma_wait3A_64 = arith.constant 0 : i32
      %dma_wait3A_65 = tpu.memref_slice %arg7[%dma_wait3A_63, %dma_wait3A_64] : memref<48x128xi32, #tpu.memory_space<vmem>> -> memref<1x128xi32, #tpu.memory_space<vmem>>
      %dma_wait3A_66 = tpu.memref_squeeze %dma_wait3A_65 : memref<1x128xi32, #tpu.memory_space<vmem>> -> memref<128xi32, #tpu.memory_space<vmem>>
      %dma_wait3A_67 = arith.constant 0 : i32
      %dma_wait3A_68 = arith.constant 0 : i32
      %dma_wait3A_69 = tpu.memref_slice %arg2[%dma_wait3A_67, %dma_wait3A_68] : memref<20480x128xf32, #tpu.memory_space<hbm>> -> memref<20480x128xf32, #tpu.memory_space<hbm>>
      tpu.wait_indirect_dma semaphore(%arg12 : memref<!tpu.dma_semaphore, #tpu.memory_space<semaphore_mem>>) src(%dma_wait3A_69 : memref<20480x128xf32, #tpu.memory_space<hbm>>) dst(%arg9 : memref<128x128xf32, #tpu.memory_space<vmem>>)
      %add3A_70 = arith.constant 1 : i32
      %add3A_71 = arith.addi %mul3A_62, %add3A_70 : i32
      %dma_start3A_72 = arith.constant 0 : i32
      %dma_start3A_73 = tpu.memref_slice %arg7[%add3A_71, %dma_start3A_72] : memref<48x128xi32, #tpu.memory_space<vmem>> -> memref<1x128xi32, #tpu.memory_space<vmem>>
      %dma_start3A_74 = tpu.memref_squeeze %dma_start3A_73 : memref<1x128xi32, #tpu.memory_space<vmem>> -> memref<128xi32, #tpu.memory_space<vmem>>
      %dma_start3A_75 = arith.constant 0 : i32
      %dma_start3A_76 = arith.constant 0 : i32
      %dma_start3A_77 = tpu.memref_slice %arg2[%dma_start3A_75, %dma_start3A_76] : memref<20480x128xf32, #tpu.memory_space<hbm>> -> memref<20480x128xf32, #tpu.memory_space<hbm>>
      tpu.enqueue_indirect_dma source(%dma_start3A_77 : memref<20480x128xf32, #tpu.memory_space<hbm>>) target(%arg10 : memref<128x128xf32, #tpu.memory_space<vmem>>) offsets(%dma_start3A_74 : memref<128xi32, #tpu.memory_space<vmem>>) semaphore(%arg13 : memref<!tpu.dma_semaphore, #tpu.memory_space<semaphore_mem>>)
      "tpu.region"() ({
        %run_scoped3A = tpu.sem_alloc : memref<!tpu.dma_semaphore, #tpu.memory_space<semaphore_mem>>
        %dma_start3A_95 = arith.constant 0 : i32
        %dma_start3A_96 = tpu.memref_slice %arg8[%mul3A_62, %dma_start3A_95] : memref<40x128xi32, #tpu.memory_space<vmem>> -> memref<1x128xi32, #tpu.memory_space<vmem>>
        %dma_start3A_97 = tpu.memref_squeeze %dma_start3A_96 : memref<1x128xi32, #tpu.memory_space<vmem>> -> memref<128xi32, #tpu.memory_space<vmem>>
        %dma_start3A_98 = arith.constant 0 : i32
        %dma_start3A_99 = arith.constant 0 : i32
        %dma_start3A_100 = tpu.memref_slice %arg11[%dma_start3A_98, %dma_start3A_99] : memref<10240x128xf32, #tpu.memory_space<vmem_shared>> -> memref<10240x128xf32, #tpu.memory_space<vmem_shared>>
        tpu.enqueue_indirect_dma source(%arg9 : memref<128x128xf32, #tpu.memory_space<vmem>>) target(%dma_start3A_100 : memref<10240x128xf32, #tpu.memory_space<vmem_shared>>) offsets(%dma_start3A_97 : memref<128xi32, #tpu.memory_space<vmem>>) semaphore(%run_scoped3A : memref<!tpu.dma_semaphore, #tpu.memory_space<semaphore_mem>>) {add = true}
        %dma_wait3A_101 = arith.constant 0 : i32
        %dma_wait3A_102 = tpu.memref_slice %arg8[%mul3A_62, %dma_wait3A_101] : memref<40x128xi32, #tpu.memory_space<vmem>> -> memref<1x128xi32, #tpu.memory_space<vmem>>
        %dma_wait3A_103 = tpu.memref_squeeze %dma_wait3A_102 : memref<1x128xi32, #tpu.memory_space<vmem>> -> memref<128xi32, #tpu.memory_space<vmem>>
        %dma_wait3A_104 = arith.constant 0 : i32
        %dma_wait3A_105 = arith.constant 0 : i32
        %dma_wait3A_106 = tpu.memref_slice %arg11[%dma_wait3A_104, %dma_wait3A_105] : memref<10240x128xf32, #tpu.memory_space<vmem_shared>> -> memref<10240x128xf32, #tpu.memory_space<vmem_shared>>
        tpu.wait_indirect_dma semaphore(%run_scoped3A : memref<!tpu.dma_semaphore, #tpu.memory_space<semaphore_mem>>) src(%arg9 : memref<128x128xf32, #tpu.memory_space<vmem>>) dst(%dma_wait3A_106 : memref<10240x128xf32, #tpu.memory_space<vmem_shared>>)
        tpu.yield
      }) : () -> ()
      %dma_wait3A_78 = arith.constant 0 : i32
      %dma_wait3A_79 = arith.constant 0 : i32
      %dma_wait3A_80 = tpu.memref_slice %arg7[%dma_wait3A_78, %dma_wait3A_79] : memref<48x128xi32, #tpu.memory_space<vmem>> -> memref<1x128xi32, #tpu.memory_space<vmem>>
      %dma_wait3A_81 = tpu.memref_squeeze %dma_wait3A_80 : memref<1x128xi32, #tpu.memory_space<vmem>> -> memref<128xi32, #tpu.memory_space<vmem>>
      %dma_wait3A_82 = arith.constant 0 : i32
      %dma_wait3A_83 = arith.constant 0 : i32
      %dma_wait3A_84 = tpu.memref_slice %arg2[%dma_wait3A_82, %dma_wait3A_83] : memref<20480x128xf32, #tpu.memory_space<hbm>> -> memref<20480x128xf32, #tpu.memory_space<hbm>>
      tpu.wait_indirect_dma semaphore(%arg13 : memref<!tpu.dma_semaphore, #tpu.memory_space<semaphore_mem>>) src(%dma_wait3A_84 : memref<20480x128xf32, #tpu.memory_space<hbm>>) dst(%arg10 : memref<128x128xf32, #tpu.memory_space<vmem>>)
      %add3A_85 = arith.constant 2 : i32
      %add3A_86 = arith.addi %mul3A_62, %add3A_85 : i32
      %dma_start3A_87 = arith.constant 0 : i32
      %dma_start3A_88 = tpu.memref_slice %arg7[%add3A_86, %dma_start3A_87] : memref<48x128xi32, #tpu.memory_space<vmem>> -> memref<1x128xi32, #tpu.memory_space<vmem>>
      %dma_start3A_89 = tpu.memref_squeeze %dma_start3A_88 : memref<1x128xi32, #tpu.memory_space<vmem>> -> memref<128xi32, #tpu.memory_space<vmem>>
      %dma_start3A_90 = arith.constant 0 : i32
      %dma_start3A_91 = arith.constant 0 : i32
      %dma_start3A_92 = tpu.memref_slice %arg2[%dma_start3A_90, %dma_start3A_91] : memref<20480x128xf32, #tpu.memory_space<hbm>> -> memref<20480x128xf32, #tpu.memory_space<hbm>>
      tpu.enqueue_indirect_dma source(%dma_start3A_92 : memref<20480x128xf32, #tpu.memory_space<hbm>>) target(%arg9 : memref<128x128xf32, #tpu.memory_space<vmem>>) offsets(%dma_start3A_89 : memref<128xi32, #tpu.memory_space<vmem>>) semaphore(%arg12 : memref<!tpu.dma_semaphore, #tpu.memory_space<semaphore_mem>>)
      %add3A_93 = arith.constant 1 : i32
      %add3A_94 = arith.addi %mul3A_62, %add3A_93 : i32
      "tpu.region"() ({
        %run_scoped3A = tpu.sem_alloc : memref<!tpu.dma_semaphore, #tpu.memory_space<semaphore_mem>>
        %dma_start3A_95 = arith.constant 0 : i32
        %dma_start3A_96 = tpu.memref_slice %arg8[%add3A_94, %dma_start3A_95] : memref<40x128xi32, #tpu.memory_space<vmem>> -> memref<1x128xi32, #tpu.memory_space<vmem>>
        %dma_start3A_97 = tpu.memref_squeeze %dma_start3A_96 : memref<1x128xi32, #tpu.memory_space<vmem>> -> memref<128xi32, #tpu.memory_space<vmem>>
        %dma_start3A_98 = arith.constant 0 : i32
        %dma_start3A_99 = arith.constant 0 : i32
        %dma_start3A_100 = tpu.memref_slice %arg11[%dma_start3A_98, %dma_start3A_99] : memref<10240x128xf32, #tpu.memory_space<vmem_shared>> -> memref<10240x128xf32, #tpu.memory_space<vmem_shared>>
        tpu.enqueue_indirect_dma source(%arg10 : memref<128x128xf32, #tpu.memory_space<vmem>>) target(%dma_start3A_100 : memref<10240x128xf32, #tpu.memory_space<vmem_shared>>) offsets(%dma_start3A_97 : memref<128xi32, #tpu.memory_space<vmem>>) semaphore(%run_scoped3A : memref<!tpu.dma_semaphore, #tpu.memory_space<semaphore_mem>>) {add = true}
        %dma_wait3A_101 = arith.constant 0 : i32
        %dma_wait3A_102 = tpu.memref_slice %arg8[%add3A_94, %dma_wait3A_101] : memref<40x128xi32, #tpu.memory_space<vmem>> -> memref<1x128xi32, #tpu.memory_space<vmem>>
        %dma_wait3A_103 = tpu.memref_squeeze %dma_wait3A_102 : memref<1x128xi32, #tpu.memory_space<vmem>> -> memref<128xi32, #tpu.memory_space<vmem>>
        %dma_wait3A_104 = arith.constant 0 : i32
        %dma_wait3A_105 = arith.constant 0 : i32
        %dma_wait3A_106 = tpu.memref_slice %arg11[%dma_wait3A_104, %dma_wait3A_105] : memref<10240x128xf32, #tpu.memory_space<vmem_shared>> -> memref<10240x128xf32, #tpu.memory_space<vmem_shared>>
        tpu.wait_indirect_dma semaphore(%run_scoped3A : memref<!tpu.dma_semaphore, #tpu.memory_space<semaphore_mem>>) src(%arg10 : memref<128x128xf32, #tpu.memory_space<vmem>>) dst(%dma_wait3A_106 : memref<10240x128xf32, #tpu.memory_space<vmem_shared>>)
        tpu.yield
      }) : () -> ()
    }
    %scan3A_51 = arith.constant 20 : i32
    %dma_wait3A_52 = arith.constant 0 : i32
    %dma_wait3A_53 = arith.constant 0 : i32
    %dma_wait3A_54 = tpu.memref_slice %arg7[%dma_wait3A_52, %dma_wait3A_53] : memref<48x128xi32, #tpu.memory_space<vmem>> -> memref<1x128xi32, #tpu.memory_space<vmem>>
    %dma_wait3A_55 = tpu.memref_squeeze %dma_wait3A_54 : memref<1x128xi32, #tpu.memory_space<vmem>> -> memref<128xi32, #tpu.memory_space<vmem>>
    %dma_wait3A_56 = arith.constant 0 : i32
    %dma_wait3A_57 = arith.constant 0 : i32
    %dma_wait3A_58 = tpu.memref_slice %arg2[%dma_wait3A_56, %dma_wait3A_57] : memref<20480x128xf32, #tpu.memory_space<hbm>> -> memref<20480x128xf32, #tpu.memory_space<hbm>>
    tpu.wait_indirect_dma semaphore(%arg12 : memref<!tpu.dma_semaphore, #tpu.memory_space<semaphore_mem>>) src(%dma_wait3A_58 : memref<20480x128xf32, #tpu.memory_space<hbm>>) dst(%arg9 : memref<128x128xf32, #tpu.memory_space<vmem>>)
    %barrier3A_59 = arith.constant 0 : index
    tpu.barrier barrier_id(%barrier3A_59)
    "tpu.region"() ({
      %run_scoped3A = tpu.sem_alloc : memref<!tpu.dma_semaphore, #tpu.memory_space<semaphore_mem>>
      %dma_start3A_60 = arith.constant 0 : i32
      %dma_start3A_61 = tpu.memref_slice %arg6[%arg0, %mul3A_0, %dma_start3A_60] : memref<2x10240x128xf32, #tpu.memory_space<hbm>> -> memref<1x640x128xf32, #tpu.memory_space<hbm>>
      %dma_start3A_62 = tpu.memref_squeeze %dma_start3A_61 : memref<1x640x128xf32, #tpu.memory_space<hbm>> -> memref<640x128xf32, #tpu.memory_space<hbm>>
      %dma_start3A_63 = arith.constant 0 : i32
      %dma_start3A_64 = tpu.memref_slice %arg11[%mul3A_0, %dma_start3A_63] : memref<10240x128xf32, #tpu.memory_space<vmem_shared>> -> memref<640x128xf32, #tpu.memory_space<vmem_shared>>
      tpu.enqueue_dma source(%dma_start3A_64 : memref<640x128xf32, #tpu.memory_space<vmem_shared>>) target(%dma_start3A_62 : memref<640x128xf32, #tpu.memory_space<hbm>>) target_semaphore(%run_scoped3A : memref<!tpu.dma_semaphore, #tpu.memory_space<semaphore_mem>>)
      %dma_wait3A_65 = arith.constant 0 : i32
      %dma_wait3A_66 = tpu.memref_slice %arg6[%arg0, %mul3A_0, %dma_wait3A_65] : memref<2x10240x128xf32, #tpu.memory_space<hbm>> -> memref<1x640x128xf32, #tpu.memory_space<hbm>>
      %dma_wait3A_67 = tpu.memref_squeeze %dma_wait3A_66 : memref<1x640x128xf32, #tpu.memory_space<hbm>> -> memref<640x128xf32, #tpu.memory_space<hbm>>
      %dma_wait3A_68 = arith.constant 0 : i32
      %dma_wait3A_69 = tpu.memref_slice %arg11[%mul3A_0, %dma_wait3A_68] : memref<10240x128xf32, #tpu.memory_space<vmem_shared>> -> memref<640x128xf32, #tpu.memory_space<vmem_shared>>
      tpu.wait_dma2 semaphore(%run_scoped3A : memref<!tpu.dma_semaphore, #tpu.memory_space<semaphore_mem>>) src(%dma_wait3A_69 : memref<640x128xf32, #tpu.memory_space<vmem_shared>>) dst(%dma_wait3A_67 : memref<640x128xf32, #tpu.memory_space<hbm>>)
      tpu.yield
    }) : () -> ()
    return
  }
}

module attributes {stable_mosaic.version = 14 : i64} {
  func.func @_tc1_body(%arg0: i32, %arg1: memref<256x256xf32, #tpu.memory_space<vmem>>, %arg2: memref<256x256xf32, #tpu.memory_space<vmem>>, %arg3: memref<2x256xf32, #tpu.memory_space<vmem>>, %arg4: memref<2x256x128xf32, #tpu.memory_space<vmem>>) attributes {dimension_semantics = [#tpu.dimension_semantics<arbitrary>], iteration_bounds = array<i64: 40>, scalar_prefetch = 0 : i64, scratch_operands = 0 : i64, tpu.core_type = #tpu.core_type<tc>, window_params = [{transform_indices = @transform_0, window_bounds = array<i64: 256, 256>}, {pipeline_mode = #tpu.pipeline_mode<synchronous>, transform_indices = @transform_1, window_bounds = array<i64: 256, 256>}, {transform_indices = @transform_2, window_bounds = array<i64: 2, 256>}, {transform_indices = @transform_3, window_bounds = array<i64: 2, 256, 128>}]} {
    %get3A = arith.constant 0 : index
    %get3A_0 = arith.constant 0 : index
    %get3A_1 = vector.load %arg1[%get3A, %get3A_0] : memref<256x256xf32, #tpu.memory_space<vmem>>, vector<256x256xf32>
    %get3A_2 = arith.constant 0 : index
    %get3A_3 = arith.constant 0 : index
    %get3A_4 = vector.load %arg2[%get3A_2, %get3A_3] : memref<256x256xf32, #tpu.memory_space<vmem>>, vector<256x256xf32>
    %dot_general3A = arith.constant dense<0.000000e+00> : vector<256x256xf32>
    %dot_general3A_5 = tpu.matmul %get3A_1, %get3A_4, %dot_general3A {dimension_numbers = #tpu.dot_dimension_numbers<[1], [0], [0], [1], [0, 0, 1, 1], [], []>, transpose_lhs_hint = false} : vector<256x256xf32>, vector<256x256xf32>, vector<256x256xf32> -> vector<256x256xf32>
    %get3A_6 = arith.constant 0 : index
    %get3A_7 = arith.constant 0 : index
    %get3A_8 = vector.load %arg3[%get3A_6, %get3A_7] : memref<2x256xf32, #tpu.memory_space<vmem>>, vector<1x256xf32>
    %get3A_9 = vector.shape_cast %get3A_8 : vector<1x256xf32> to vector<256xf32>
    %get3A_10 = arith.constant 1 : index
    %get3A_11 = arith.constant 0 : index
    %get3A_12 = vector.load %arg3[%get3A_10, %get3A_11] : memref<2x256xf32, #tpu.memory_space<vmem>>, vector<1x256xf32>
    %get3A_13 = vector.shape_cast %get3A_12 : vector<1x256xf32> to vector<256xf32>
    %add3A = arith.addf %get3A_9, %get3A_13 : vector<256xf32>
    %add3A_14 = arith.constant 1.000000e+00 : f32
    %add3A_15 = vector.broadcast %add3A_14 : f32 to vector<256xf32>
    %add3A_16 = arith.addf %add3A, %add3A_15 : vector<256xf32>
    %rsqrt3A = math.rsqrt %add3A_16 : vector<256xf32>
    %broadcast_in_dim3A = vector.shape_cast %rsqrt3A : vector<256xf32> to vector<256x1xf32>
    %slice3A = vector.extract_strided_slice %dot_general3A_5 {offsets = [0, 0], sizes = [256, 128], strides = [1, 1]} : vector<256x256xf32> to vector<256x128xf32>
    %mul3A = vector.broadcast %broadcast_in_dim3A : vector<256x1xf32> to vector<256x128xf32>
    %mul3A_17 = arith.mulf %slice3A, %mul3A : vector<256x128xf32>
    %swap3A = arith.constant 0 : index
    %swap3A_18 = arith.constant 0 : index
    %swap3A_19 = arith.constant 0 : index
    %swap3A_20 = vector.load %arg4[%swap3A, %swap3A_18, %swap3A_19] : memref<2x256x128xf32, #tpu.memory_space<vmem>>, vector<1x256x128xf32>
    %swap3A_21 = vector.shape_cast %swap3A_20 : vector<1x256x128xf32> to vector<256x128xf32>
    %swap3A_22 = vector.shape_cast %mul3A_17 : vector<256x128xf32> to vector<1x256x128xf32>
    tpu.vector_store %arg4[%swap3A, %swap3A_18, %swap3A_19], %swap3A_22 {strides = array<i32>} : memref<2x256x128xf32, #tpu.memory_space<vmem>>, vector<1x256x128xf32>,
    %slice3A_23 = vector.extract_strided_slice %dot_general3A_5 {offsets = [0, 128], sizes = [256, 128], strides = [1, 1]} : vector<256x256xf32> to vector<256x128xf32>
    %mul3A_24 = vector.broadcast %broadcast_in_dim3A : vector<256x1xf32> to vector<256x128xf32>
    %mul3A_25 = arith.mulf %slice3A_23, %mul3A_24 : vector<256x128xf32>
    %swap3A_26 = arith.constant 1 : index
    %swap3A_27 = arith.constant 0 : index
    %swap3A_28 = arith.constant 0 : index
    %swap3A_29 = vector.load %arg4[%swap3A_26, %swap3A_27, %swap3A_28] : memref<2x256x128xf32, #tpu.memory_space<vmem>>, vector<1x256x128xf32>
    %swap3A_30 = vector.shape_cast %swap3A_29 : vector<1x256x128xf32> to vector<256x128xf32>
    %swap3A_31 = vector.shape_cast %mul3A_25 : vector<256x128xf32> to vector<1x256x128xf32>
    tpu.vector_store %arg4[%swap3A_26, %swap3A_27, %swap3A_28], %swap3A_31 {strides = array<i32>} : memref<2x256x128xf32, #tpu.memory_space<vmem>>, vector<1x256x128xf32>,
    return
  }
  func.func @transform_0(%arg0: i32) -> (i32, i32) {
    %c0_i32 = arith.constant 0 : i32
    %c0_i32_0 = arith.constant 0 : i32
    return %arg0, %c0_i32 : i32, i32
  }
  func.func @transform_1(%arg0: i32) -> (i32, i32) {
    %c0_i32 = arith.constant 0 : i32
    %c0_i32_0 = arith.constant 0 : i32
    %c0_i32_1 = arith.constant 0 : i32
    return %c0_i32, %c0_i32_0 : i32, i32
  }
  func.func @transform_2(%arg0: i32) -> (i32, i32) {
    %c0_i32 = arith.constant 0 : i32
    %c0_i32_0 = arith.constant 0 : i32
    return %c0_i32, %arg0 : i32, i32
  }
  func.func @transform_3(%arg0: i32) -> (i32, i32, i32) {
    %c0_i32 = arith.constant 0 : i32
    %c0_i32_0 = arith.constant 0 : i32
    %c0_i32_1 = arith.constant 0 : i32
    return %c0_i32, %arg0, %c0_i32_0 : i32, i32, i32
  }
}

module attributes {stable_mosaic.version = 14 : i64} {
  func.func @_tc2_body(%arg0: i32, %arg1: memref<2x128x128xf32, #tpu.memory_space<vmem>>, %arg2: memref<2x128xf32, #tpu.memory_space<vmem>>, %arg3: memref<256xf32, #tpu.memory_space<vmem>>, %arg4: memref<128x256xf32, #tpu.memory_space<vmem>>) attributes {dimension_semantics = [#tpu.dimension_semantics<arbitrary>], iteration_bounds = array<i64: 80>, scalar_prefetch = 0 : i64, scratch_operands = 0 : i64, tpu.core_type = #tpu.core_type<tc>, window_params = [{transform_indices = @transform_0, window_bounds = array<i64: 2, 128, 128>}, {transform_indices = @transform_1, window_bounds = array<i64: 2, 128>}, {pipeline_mode = #tpu.pipeline_mode<synchronous>, transform_indices = @transform_2, window_bounds = array<i64: 256>}, {transform_indices = @transform_3, window_bounds = array<i64: 128, 256>}]} {
    %get3A = arith.constant 0 : index
    %get3A_0 = arith.constant 0 : index
    %get3A_1 = vector.load %arg2[%get3A, %get3A_0] : memref<2x128xf32, #tpu.memory_space<vmem>>, vector<1x128xf32>
    %get3A_2 = vector.shape_cast %get3A_1 : vector<1x128xf32> to vector<128xf32>
    %get3A_3 = arith.constant 1 : index
    %get3A_4 = arith.constant 0 : index
    %get3A_5 = vector.load %arg2[%get3A_3, %get3A_4] : memref<2x128xf32, #tpu.memory_space<vmem>>, vector<1x128xf32>
    %get3A_6 = vector.shape_cast %get3A_5 : vector<1x128xf32> to vector<128xf32>
    %add3A = arith.addf %get3A_2, %get3A_6 : vector<128xf32>
    %add3A_7 = arith.constant 1.000000e+00 : f32
    %add3A_8 = vector.broadcast %add3A_7 : f32 to vector<128xf32>
    %add3A_9 = arith.addf %add3A, %add3A_8 : vector<128xf32>
    %rsqrt3A = math.rsqrt %add3A_9 : vector<128xf32>
    %broadcast_in_dim3A = vector.shape_cast %rsqrt3A : vector<128xf32> to vector<128x1xf32>
    %get3A_10 = arith.constant 0 : index
    %get3A_11 = vector.load %arg3[%get3A_10] : memref<256xf32, #tpu.memory_space<vmem>>, vector<256xf32>
    %get3A_12 = arith.constant 0 : index
    %get3A_13 = arith.constant 0 : index
    %get3A_14 = arith.constant 0 : index
    %get3A_15 = vector.load %arg1[%get3A_12, %get3A_13, %get3A_14] : memref<2x128x128xf32, #tpu.memory_space<vmem>>, vector<1x128x128xf32>
    %get3A_16 = vector.shape_cast %get3A_15 : vector<1x128x128xf32> to vector<128x128xf32>
    %mul3A = vector.broadcast %broadcast_in_dim3A : vector<128x1xf32> to vector<128x128xf32>
    %mul3A_17 = arith.mulf %get3A_16, %mul3A : vector<128x128xf32>
    %slice3A = vector.extract_strided_slice %get3A_11 {offsets = [0], sizes = [128], strides = [1]} : vector<256xf32> to vector<128xf32>
    %broadcast_in_dim3A_18 = vector.shape_cast %slice3A : vector<128xf32> to vector<1x128xf32>
    %add3A_19 = vector.broadcast %broadcast_in_dim3A_18 : vector<1x128xf32> to vector<128x128xf32>
    %add3A_20 = arith.addf %mul3A_17, %add3A_19 : vector<128x128xf32>
    %swap3A = arith.constant 0 : index
    %swap3A_21 = arith.constant 0 : index
    %swap3A_22 = vector.load %arg4[%swap3A, %swap3A_21] : memref<128x256xf32, #tpu.memory_space<vmem>>, vector<128x128xf32>
    tpu.vector_store %arg4[%swap3A, %swap3A_21], %add3A_20 {strides = array<i32>} : memref<128x256xf32, #tpu.memory_space<vmem>>, vector<128x128xf32>,
    %get3A_23 = arith.constant 1 : index
    %get3A_24 = arith.constant 0 : index
    %get3A_25 = arith.constant 0 : index
    %get3A_26 = vector.load %arg1[%get3A_23, %get3A_24, %get3A_25] : memref<2x128x128xf32, #tpu.memory_space<vmem>>, vector<1x128x128xf32>
    %get3A_27 = vector.shape_cast %get3A_26 : vector<1x128x128xf32> to vector<128x128xf32>
    %mul3A_28 = vector.broadcast %broadcast_in_dim3A : vector<128x1xf32> to vector<128x128xf32>
    %mul3A_29 = arith.mulf %get3A_27, %mul3A_28 : vector<128x128xf32>
    %slice3A_30 = vector.extract_strided_slice %get3A_11 {offsets = [128], sizes = [128], strides = [1]} : vector<256xf32> to vector<128xf32>
    %broadcast_in_dim3A_31 = vector.shape_cast %slice3A_30 : vector<128xf32> to vector<1x128xf32>
    %add3A_32 = vector.broadcast %broadcast_in_dim3A_31 : vector<1x128xf32> to vector<128x128xf32>
    %add3A_33 = arith.addf %mul3A_29, %add3A_32 : vector<128x128xf32>
    %swap3A_34 = arith.constant 0 : index
    %swap3A_35 = arith.constant 128 : index
    %swap3A_36 = vector.load %arg4[%swap3A_34, %swap3A_35] : memref<128x256xf32, #tpu.memory_space<vmem>>, vector<128x128xf32>
    tpu.vector_store %arg4[%swap3A_34, %swap3A_35], %add3A_33 {strides = array<i32>} : memref<128x256xf32, #tpu.memory_space<vmem>>, vector<128x128xf32>,
    return
  }
  func.func @transform_0(%arg0: i32) -> (i32, i32, i32) {
    %c0_i32 = arith.constant 0 : i32
    %c0_i32_0 = arith.constant 0 : i32
    %c0_i32_1 = arith.constant 0 : i32
    return %c0_i32, %arg0, %c0_i32_0 : i32, i32, i32
  }
  func.func @transform_1(%arg0: i32) -> (i32, i32) {
    %c0_i32 = arith.constant 0 : i32
    %c0_i32_0 = arith.constant 0 : i32
    return %c0_i32, %arg0 : i32, i32
  }
  func.func @transform_2(%arg0: i32) -> i32 {
    %c0_i32 = arith.constant 0 : i32
    %c0_i32_0 = arith.constant 0 : i32
    return %c0_i32 : i32
  }
  func.func @transform_3(%arg0: i32) -> (i32, i32) {
    %c0_i32 = arith.constant 0 : i32
    %c0_i32_0 = arith.constant 0 : i32
    return %arg0, %c0_i32 : i32, i32
  }
}

</mosaic_0001>

<sc_bundles>
// kernel: kernel.6.cloned.1.call-start
scs
__scs_entry_jumppad:
0x0: {  	(pc) =	sbr.rel $0x88, $3  }
0x1: {  	(tag) =	ssettag $0x0;
	lr =	simm.s32 $0x1  }
0x2: {  	[smem:$0x3F9D] =	sst lr;
	_ =	strace $0xD0000000  }
0x3: {  	_ = 	snop  }
0x4: {  	_ = 	snop  }
0x5: {  	_ = 	snop  }
0x6: {  	_ = 	snop  }
0x7: {  	_ = 	snop  }
__scs_overlays_trampoline_lowered:
0x8: {  	[smem:$0x3FAC] =	sst s0  }
0x9: {  	[smem:$0x3FAD] =	sst s1  }
0xa: {  	[smem:$0x3FAE] =	sst s2  }
0xb: {  	[smem:$0x3FAF] =	sst s3  }
0xc: {  	[smem:$0x3FB0] =	sst s4  }
0xd: {  	[smem:$0x3FB1] =	sst s5  }
0xe: {  	[smem:$0x3FB2] =	sst s6  }
0xf: {  	[smem:$0x3FB3] =	sst s7  }
0x10: {  	[smem:$0x3FB4] =	sst s8  }
0x11: {  	[smem:$0x3FB5] =	sst s9;
	s0 =	simm.s32 @!p0 $0x0  }
0x12: {  	s1 =	sld [smem:$0x3F9B];
	s0 =	simm.s32 @p0 $0x1  }
0x13: {  	[smem:$0x3FB6] =	sst s0;
	s0 =	simm.s32 @!p1 $0x0  }
0x14: {  	s2 =	sld [smem:$0x3F9A];
	s0 =	simm.s32 @p1 $0x1  }
0x15: {  	[smem:$0x3FB7] =	sst s0;
	s0 =	simm.s32 @!p2 $0x0  }
0x16: {  	s3 =	sld [smem:$0x3FDB];
	s0 =	simm.s32 @p2 $0x1  }
0x17: {  	s4 =	simm.s32 $0x1BF5;
	[smem:$0x3FB9] =	sst s0  }
0x18: {  	s0 =	sld [smem:$0x3F9C];
	_ =	swait.ge [sflag:s4], $0x0  }
0x19: {  	s7 =	sld [smem:$0x3F9D]  }
0x1a: {  	s8 =	sadd.s32 $0xFFFFE003, lr  }
0x1b: {  	s9 =	sadd.s32 $0xFFFFFEF7, lr;
	s5 =	simm.s32 $0xFFFFFFFF;
	p2 =	slt.u32 s8, $0xFFFFF086  }
0x1c: {  	p1 =	slt.u32 s9, $0xF7A;
	s5 =	simm.s32 @!p2 $0x0  }
0x1d: {  	s5 =	simm.s32 @p1 $0x1;
	p0 =	seq.s32 s7, s2  }
0x1e: {  	s7 =	smul.u32 @!p0 $0xF7A, s2;
	p2 =	seq.s32 @!p0 s5, $0x0  }
0x1f: {  	s9 =	smul.u32 $0xF7A, s1;
	s8 =	simm.s32 @!p0 $0x1BF5;
	p2 =	por !p2, p0  }
0x20: {  	[sflag:s8] =	ssyncset.s32 @!p0 $0xFFFFF086;
	s6 =	sadd.s32 @!p0 s3, s7;
	s7 =	simm.s32 @!p0 $0x108  }
0x21: {  	s3 =	sadd.s32 s3, s9;
	s6 =	sadd.s32 @!p0 $0x88, s6;
	s7 =	simm.s32 @p2 $0x1082  }
0x22: {  	[simem:s7], [sflag:s8] =	dma.local @!p0 [hbm:s6], $0xF7A  }
0x23: {  	s9 =	sor.u32 $0xD0000000, s2;
	s6 =	simm.s32 $0x108;
	_ =	swait.ge @!p0 [sflag:s8], $0x0  }
0x24: {  	s3 =	sadd.s32 $0x88, s3;
	s6 =	simm.s32 @!p1 $0x1082;
	[sflag:s4] =	ssyncset.s32 $0xFFFFF086  }
0x25: {  	[simem:s6], [sflag:s4] =	dma.local [hbm:s3], $0xF7A  }
0x26: {  	[smem:$0x3F9D] =	sst s1;
	(tag) =	ssettag s2;
	_ =	strace s9  }
0x27: {  	s1 =	sld [smem:$0x3FAD]  }
0x28: {  	s2 =	sld [smem:$0x3FAE]  }
0x29: {  	s4 =	sld [smem:$0x3FB0]  }
0x2a: {  	p0 =	seq.s32 s5, $0x0;
	s5 =	sld [smem:$0x3FB1]  }
0x2b: {  	s6 =	sld [smem:$0x3FB2]  }
0x2c: {  	s7 =	sld [smem:$0x3FB3]  }
0x2d: {  	s3 =	simm.s32 $0x108;
	s8 =	sld [smem:$0x3FB4]  }
0x2e: {  	s3 =	simm.s32 @!p0 $0x1082;
	s9 =	sld [smem:$0x3FB5]  }
0x2f: {  	lr =	sadd.s32 s0, s3;
	s0 =	sld [smem:$0x3FAC]  }
0x30: {  	s3 =	sld [smem:$0x3FAF]  }
0x31: {  	[smem:$0x3FB8] =	sst s10  }
0x32: {  	s10 =	sld [smem:$0x3FB6];
	_ =	sdelay $0x3  }
0x33: {  	p0 =	seq.s32 s10, $0x1;
	s10 =	sld [smem:$0x3FB8];
	_ =	sdelay $0x3  }
0x34: {  	[smem:$0x3FB8] =	sst s10  }
0x35: {  	s10 =	sld [smem:$0x3FB7];
	_ =	sdelay $0x3  }
0x36: {  	p1 =	seq.s32 s10, $0x1;
	s10 =	sld [smem:$0x3FB8];
	_ =	sdelay $0x3  }
0x37: {  	[smem:$0x3FB8] =	sst s10  }
0x38: {  	s10 =	sld [smem:$0x3FB9]  }
0x39: {  	_ = 	snop;
	(pc) =	sbr.ind lr, $3  }
0x3a: {  	_ = 	snop  }
0x3b: {  	_ = 	snop  }
0x3c: {  	p2 =	seq.s32 s10, $0x1;
	s10 =	sld [smem:$0x3FB8]  }
0x3d: {  	_ =	shalt  }
0x3e: {  	_ =	shalt  }
0x3f: {  	_ =	shalt  }
0x40: {  	_ =	shalt  }
0x41: {  	_ =	shalt  }
0x42: {  	_ =	shalt  }
0x43: {  	_ =	shalt  }
0x44: {  	_ =	shalt  }
0x45: {  	_ =	shalt  }
0x46: {  	_ =	shalt  }
0x47: {  	_ =	shalt  }
0x48: {  	_ =	shalt  }
0x49: {  	_ =	shalt  }
0x4a: {  	_ =	shalt  }
0x4b: {  	_ =	shalt  }
0x4c: {  	_ =	shalt  }
0x4d: {  	_ =	shalt  }
0x4e: {  	_ =	shalt  }
0x4f: {  	_ =	shalt  }
0x50: {  	_ =	shalt  }
0x51: {  	_ =	shalt  }
0x52: {  	_ =	shalt  }
0x53: {  	_ =	shalt  }
0x54: {  	_ =	shalt  }
0x55: {  	_ =	shalt  }
0x56: {  	_ =	shalt  }
0x57: {  	_ =	shalt  }
0x58: {  	_ =	shalt  }
0x59: {  	_ =	shalt  }
0x5a: {  	_ =	shalt  }
0x5b: {  	_ =	shalt  }
0x5c: {  	_ =	shalt  }
0x5d: {  	_ =	shalt  }
0x5e: {  	_ =	shalt  }
0x5f: {  	_ =	shalt  }
0x60: {  	_ =	shalt  }
0x61: {  	_ =	shalt  }
0x62: {  	_ =	shalt  }
0x63: {  	_ =	shalt  }
0x64: {  	_ =	shalt  }
0x65: {  	_ =	shalt  }
0x66: {  	_ =	shalt  }
0x67: {  	_ =	shalt  }
0x68: {  	_ =	shalt  }
0x69: {  	_ =	shalt  }
0x6a: {  	_ =	shalt  }
0x6b: {  	_ =	shalt  }
0x6c: {  	_ =	shalt  }
0x6d: {  	_ =	shalt  }
0x6e: {  	_ =	shalt  }
0x6f: {  	_ =	shalt  }
0x70: {  	_ =	shalt  }
0x71: {  	_ =	shalt  }
0x72: {  	_ =	shalt  }
0x73: {  	_ =	shalt  }
0x74: {  	_ =	shalt  }
0x75: {  	_ =	shalt  }
0x76: {  	_ =	shalt  }
0x77: {  	_ =	shalt  }
0x78: {  	_ =	shalt  }
0x79: {  	_ =	shalt  }
0x7a: {  	_ =	shalt  }
0x7b: {  	_ =	shalt  }
0x7c: {  	_ =	shalt  }
0x7d: {  	_ =	shalt  }
0x7e: {  	_ =	shalt  }
0x7f: {  	_ =	shalt  }
0x80: {  	_ =	shalt  }
0x81: {  	_ =	shalt  }
0x82: {  	_ =	shalt  }
0x83: {  	_ =	shalt  }
0x84: {  	_ =	shalt  }
0x85: {  	_ =	shalt  }
0x86: {  	_ =	shalt  }
0x87: {  	_ =	shalt  }
.Lfunc_end0:
.L_simem_size_0:
called_computation_lowered:
.L_overlay_start_0:
0x88: {  	s2 =	sld [smem:$0x3FD9]  }
0x89: {  	s3 =	sld [smem:$0x3FFE];
	_ =	sdelay $0x1  }
0x8a: {  	s1 =	srdreg.scid  }
0x8b: {  	s0 =	sand.u32 $0x1, s1  }
0x8c: {  	s16 =	sshll.u32 s0, $0xA;
	s2 =	sadd.s32 s3, s2  }
0x8d: {  	s2 =	sadd.s32 s2, s16  }
0x8e: {  	[smem:$0x3FC4] =	sst s2  }
0x8f: {  	_ = 	snop  }
0x90: {  	(tm) =	ssettm $0x1  }
0x91: {  	s17 =	sld [smem:$0x3FFB];
	_ =	sdelay $0x3  }
0x92: {  	_ =	strace s17  }
0x93: {  	s2 =	sld [smem:$0x3FFC];
	_ =	sdelay $0x3  }
0x94: {  	_ =	strace s2  }
0x95: {  	s2 =	sld [smem:$0x3FFD];
	_ =	sdelay $0x3  }
0x96: {  	_ =	strace s2  }
0x97: {  	_ =	strace $0x8FFFFFFF  }
0x98: {  	s18 =	sld [smem:$0x3FDB];
	_ =	sdelay $0x1  }
0x99: {  	s19 =	simm.s32 $_scs_section_size  }
0x9a: {  	s4 =	simm.s32 $_size__tile_overlayer_lowered;
	s5 =	simm.s32 $_tile_overlayer_lowered  }
0x9b: {  	s22 =	simm.s32 $0x1BFF;
	s21 =	sshll.u32 s5, $0x1;
	s2 =	sadd.s32 s19, s18  }
0x9c: {  	s6 =	simm.s32 $0x0;
	s20 =	sshll.u32 s4, $0x1;
	s4 =	sadd.s32 s21, s2  }
0x9d: {  	[timem:s6], [sflag:s22] =	dma.local [hbm:s4], s20  }
0x9e: {  	_ =	swait.ge [sflag:s22], s20  }
0x9f: {  	s3 =	ssub.s32 $0x0, s20;
	[sflag:s22] =	ssyncset.done $0x0  }
0xa0: {  	[sflag:s22] =	ssyncadd.s32 s3;
	_ =	sdelay $0x1  }
0xa1: {  	s23 =	simm.s32 $0x1B8B  }
0xa2: {  	_ =	swait.ge [sflag:s23], $0x1  }
0xa3: {  	[sflag:s23] =	ssyncset.done $0x0  }
0xa4: {  	s25 =	simm.s32 $0x1B8E;
	s24 =	sld [smem:$0x3FFE];
	[sflag:s23] =	ssyncadd.s32 $0xFFFFFFFF  }
0xa5: {  	s26 =	simm.s32 $execute0_lowered;
	[smem:$0x3FD2] =	sst s25  }
0xa6: {  	s4 =	sshll.u32 s26, $0x1;
	_ =	strace $0x80000046;
	[dreg:$0x1] =	wrdreg $0xFFFFFFFF  }
0xa7: {  	s28 =	simm.s32 $_size_execute0_lowered;
	s2 =	sadd.s32 s2, s4;
	[dreg:$0x0] =	wrdreg $0x0  }
0xa8: {  	s4 =	sshll.u32 s28, $0x1;
	[dreg:$0x2] =	wrdreg s2  }
0xa9: {  	[dreg:$0x3] =	wrdreg s4  }
0xaa: {  	[dreg:$0x4] =	wrdreg $0xC0  }
0xab: {  	_ =	task [dreg:s6], $0x5FFFF  }
0xac: {  	[dreg:$0x1] =	wrdreg $0xFFFFFFFF  }
0xad: {  	[dreg:$0x0] =	wrdreg $0x60  }
0xae: {  	[dreg:$0x2] =	wrdreg s24  }
0xaf: {  	[dreg:$0x3] =	wrdreg $0x14800  }
0xb0: {  	[dreg:$0x4] =	wrdreg $0x9  }
0xb1: {  	_ =	task.clear_ibuf [dreg:s6], $0x5FFFF;
	_ =	strace $0x90000046  }
0xb2: {  	s29 =	simm.s32 $0x9;
	_ =	strace $0x80000048  }
0xb3: {  	_ =	swait.ge [sflag:s29], $0x1  }
0xb4: {  	[sflag:s29] =	ssyncadd.s32 $0xFFFFFFFF  }
0xb5: {  	_ =	strace $0x90000048  }
0xb6: {  	_ =	sfence  }
0xb7: {  	s30 =	sld [smem:$0x0];
	_ =	sdelay $0x2  }
0xb8: {  	s31 =	sshll.u32 s1, $0xD;
	s1 =	sshrl.u32 s1, $0x2  }
0xb9: {  	s3 =	sand.u32 $0x4000, s31;
	s1 =	sadd.s32 s1, s30  }
0xba: {  	s0 =	sor.u32 s3, s0;
	s1 =	sshll.u32 s1, $0x11  }
0xbb: {  	s0 =	sor.u32 s1, s0  }
0xbc: {  	s0 =	sadd.s32 $0x8F2B, s0  }
0xbd: {  	[sflag:s0] =	ssyncadd.remote.s32 $0x1  }
0xbe: {  	_ =	sfence.sel $0xFFFF  }
0xbf: {  	[dreg:$0x0] =	wrdreg $0xFFFFFFFF;
	(pc) =	sbr.abs _section_cstart, $3  }
0xc0: {  	[dreg:$0x1] =	wrdreg $0xFFFFFFFF  }
0xc1: {  	_ =	task.clear_ibuf [dreg:s6], $0x2FFFF;
	_ =	strace $0x9FFFFFFF  }
0xc2: {  	(tm) =	ssettm $0x7FFFFFFF  }
0xc3: {  	_ =	shalt  }
tec
execute0_lowered:
.L_overlay_start_1:
0x0: {  	(tag) =	ssettag $0x1  }
0x1: {  	s0 =	srdreg.scid;
	s6 =	rddreg [dreg:$0x0]  }
0x2: {  	s2 =	rddreg [dreg:$0x1];
	s3 =	simm.s32 $0x0;
	s13 =	simm.s32 $0x80  }
0x3: {  	s14 =	simm.s32 $0x20;
	s15 =	simm.s32 $0x10;
	s16 =	simm.s32 $0x0  }
0x4: {  	s5 =	sand.u32 $0x1, s0;
	s0 =	stileid.u32;
	[smem:$0x7FF] =	sst s3  }
0x5: {  	s1 =	sshll.u32 s5, $0x4;
	s7 =	smul.u32 $0x500, s0;
	s8 =	sshll.u32 s5, $0x7  }
0x6: {  	s28 =	ssub.s32 $0x2, s5;
	s10 =	smul.u32 $0xA00, s0;
	s5 =	sadd.s32 $0x5E00, s6  }
0x7: {  	s31 =	sshll.u32 s0, $0x6;
	s4 =	sor.u32 s0, s1;
	s1 =	rddreg [dreg:$0x2]  }
0x8: {  	_ =	strace $0x80000047;
	s29 =	sshrl.u32 s28, $0x1;
	s4 =	smul.u32 $0x280, s4  }
0x9: {  	s7 =	sor.u32 s8, s7;
	s12 =	ssub.s32 s28, s29;
	s30 =	sshrl.u32 s10, $0x2  }
0xa: {  	s7 =	sshrl.u32 s7, $0x3;
	s10 =	sadd.s32 s30, s2;
	s9 =	sadd.s32 s4, s6  }
0xb: {  	s4 =	sadd.s32 $0x5C00, s6;
	s11 =	sadd.s32 s7, s6;
	s6 =	sor.u32 $0x1C01, s31  }
0xc: {  	s10 =	sshrl.u32 s10, $0x3;
	s7 =	sadd.s32 $0xC00, s9;
	s8 =	sadd.s32 $0x6000, s11  }
0xd: {  	s9 =	smax.u32 s12, $0x1;
	s11 =	simm.s32 $0x1;
	s12 =	simm.s32 $0x1400  }
.LBB2_1:
0xe: {  	[spmem:s10], [sflag:s6] =	dma.local [hbm:s5], $0x50  }
0xf: {  	_ =	swait.ge [sflag:s11], $0x50  }
0x10: {  	[sflag:s11] =	ssyncset.done $0x0  }
0x11: {  	[sflag:s11] =	ssyncadd.s32 $0xFFFFFFB0  }
0x12: {  	[tilespmem:s12], [sflag:$0x1] =	stream.linear.gather [hbm4b:s4+s3], $0x80, $0x38;
	[tilespmem:$0x1700] =	vst v63  }
0x13: {  	_ =	swait.ge [sflag:s11], $0x80  }
0x14: {  	[sflag:s11] =	ssyncset.done $0x0  }
0x15: {  	[sflag:s11] =	ssyncadd.s32 $0xFFFFFF80  }
0x16: {  	[tilespmem:s3], [sflag:$0x1] =	stream.linear.gather [hbm4b:s7+s3], $0x1400, $0x38;
	[tilespmem:$0x1700] =	vst v63  }
0x17: {  	_ =	swait.ge [sflag:s11], $0x1400  }
0x18: {  	[sflag:s11] =	ssyncset.done $0x0  }
0x19: {  	[sflag:s11] =	ssyncadd.s32 $0xFFFFEC00  }
0x1a: {  	s17 =	simm.s32 $0x0;
	[bflag:$0x0] =	sbarrier.arrive $0xFFFF  }
0x1b: {  	[spmem:s2] =	stream.indirect.scatter.add.f32 [tilespmem:s12], [sflag:$0x1], $0x1, s17, s13, $0xb8;
	[tilespmem:$0x1700] =	vst v63  }
0x1c: {  	_ =	swait.ge [sflag:s11], $0x80  }
0x1d: {  	s17 =	simm.s32 $0x200;
	[sflag:s11] =	ssyncset.done $0x0  }
.LBB2_2:
0x1e: {  	s18 =	sshra.s32 s17, $0x2;
	[sflag:s11] =	ssyncadd.s32 $0xFFFFFF80;
	p0 =	sne.s32 s17, $0x4E00  }
0x1f: {  	[spmem:s2] =	stream.indirect.scatter.add.f32 [tilespmem:s12], [sflag:$0x1], $0x1, s18, s13, $0xb8;
	[tilespmem:$0x1700] =	vst v63  }
.Ltmp0:
0x20: {  	_ = 	snop;
	(pc) =	sbr.rel @p0 .LBB2_2-.Ltmp0, $4  }
0x21: {  	_ = 	snop  }
0x22: {  	s17 =	sadd.s32 $0x200, s17  }
0x23: {  	_ =	swait.ge [sflag:s11], $0x80  }
0x24: {  	[sflag:s11] =	ssyncset.done $0x0  }
0x25: {  	s16 =	sadd.s32 $0x1, s16  }
0x26: {  	[sflag:s11] =	ssyncadd.s32 $0xFFFFFF80;
	p0 =	sne.s32 s16, s9  }
.Ltmp1:
0x27: {  	[bflag:$0x0] =	sbarrier.arrive $0xFFFF;
	(pc) =	sbr.rel @p0 .LBB2_1-.Ltmp1, $4  }
0x28: {  	[hbm:s8@s14], [sflag:s6] =	dma.strided [spmem:s10@s15], $0x50, s11, $0x10   }
0x29: {  	_ =	swait.ge [sflag:s11], $0x50  }
0x2a: {  	[sflag:s11] =	ssyncset.done $0x0  }
0x2b: {  	[sflag:s11] =	ssyncadd.s32 $0xFFFFFFB0  }
0x2c: {  	_ =	sfence.sel $0x180000  }
0x2d: {  	[bflag:$0x0] =	sbarrier.arrive $0xFFFF  }
0x2e: {  	p0 =	sne.s32 s0, $0x0;
	_ =	strace $0x90000047  }
0x2f: {  	s0 =	sadd.s32 @!p0 $0x100000, s1;
	[bflag:$0x2] =	sbarrier.arrive $0xFFFF  }
0x30: {  	[sflag:s0] =	ssyncadd.tile.s32 @!p0 $0x1;
	_ =	shalt  }
.Lfunc_end2:
_tile_overlayer_lowered:
.L_overlay_start_2:
0x31: {  	(tag) =	ssettag $0x2  }
0x32: {  	s0 =	rddreg [dreg:$0x0];
	s2 =	stileid.u32  }
0x33: {  	s1 =	rddreg [dreg:$0x1];
	p0 =	sne.s32 s2, $0x0  }
0x34: {  	s3 =	rddreg [dreg:$0x2];
	[bflag:$0x3] =	sbarrier.arrive $0xFFFF;
	s2 =	simm.s32 @!p0 $0x1C01  }
0x35: {  	[timem:s3], [sflag:s2] =	dma.local @!p0 [hbm:s0], s1  }
0x36: {  	s0 =	simm.s32 @!p0 $0x1  }
0x37: {  	_ =	swait.ge @!p0 [sflag:s0], s1  }
0x38: {  	s1 =	ssub.s32 @!p0 $0x0, s1;
	[sflag:s0] =	ssyncset.done @!p0 $0x0  }
0x39: {  	[sflag:s0] =	ssyncadd.s32 @!p0 s1  }
0x3a: {  	[bflag:$0x3] =	sbarrier.arrive $0xFFFF  }
0x3b: {  	_ =	shalt  }

// kernel: kernel.9.cloned.1.call-start
scs
__scs_entry_jumppad:
0x0: {  	(pc) =	sbr.rel $0x88, $3  }
0x1: {  	(tag) =	ssettag $0x0;
	lr =	simm.s32 $0x1  }
0x2: {  	[smem:$0x3F9D] =	sst lr;
	_ =	strace $0xD0000000  }
0x3: {  	_ = 	snop  }
0x4: {  	_ = 	snop  }
0x5: {  	_ = 	snop  }
0x6: {  	_ = 	snop  }
0x7: {  	_ = 	snop  }
__scs_overlays_trampoline_lowered:
0x8: {  	[smem:$0x3FAC] =	sst s0  }
0x9: {  	[smem:$0x3FAD] =	sst s1  }
0xa: {  	[smem:$0x3FAE] =	sst s2  }
0xb: {  	[smem:$0x3FAF] =	sst s3  }
0xc: {  	[smem:$0x3FB0] =	sst s4  }
0xd: {  	[smem:$0x3FB1] =	sst s5  }
0xe: {  	[smem:$0x3FB2] =	sst s6  }
0xf: {  	[smem:$0x3FB3] =	sst s7  }
0x10: {  	[smem:$0x3FB4] =	sst s8  }
0x11: {  	[smem:$0x3FB5] =	sst s9;
	s0 =	simm.s32 @!p0 $0x0  }
0x12: {  	s1 =	sld [smem:$0x3F9B];
	s0 =	simm.s32 @p0 $0x1  }
0x13: {  	[smem:$0x3FB6] =	sst s0;
	s0 =	simm.s32 @!p1 $0x0  }
0x14: {  	s2 =	sld [smem:$0x3F9A];
	s0 =	simm.s32 @p1 $0x1  }
0x15: {  	[smem:$0x3FB7] =	sst s0;
	s0 =	simm.s32 @!p2 $0x0  }
0x16: {  	s3 =	sld [smem:$0x3FDB];
	s0 =	simm.s32 @p2 $0x1  }
0x17: {  	s4 =	simm.s32 $0x1BF5;
	[smem:$0x3FB9] =	sst s0  }
0x18: {  	s0 =	sld [smem:$0x3F9C];
	_ =	swait.ge [sflag:s4], $0x0  }
0x19: {  	s7 =	sld [smem:$0x3F9D]  }
0x1a: {  	s8 =	sadd.s32 $0xFFFFE003, lr  }
0x1b: {  	s9 =	sadd.s32 $0xFFFFFEF7, lr;
	s5 =	simm.s32 $0xFFFFFFFF;
	p2 =	slt.u32 s8, $0xFFFFF086  }
0x1c: {  	p1 =	slt.u32 s9, $0xF7A;
	s5 =	simm.s32 @!p2 $0x0  }
0x1d: {  	s5 =	simm.s32 @p1 $0x1;
	p0 =	seq.s32 s7, s2  }
0x1e: {  	s7 =	smul.u32 @!p0 $0xF7A, s2;
	p2 =	seq.s32 @!p0 s5, $0x0  }
0x1f: {  	s9 =	smul.u32 $0xF7A, s1;
	s8 =	simm.s32 @!p0 $0x1BF5;
	p2 =	por !p2, p0  }
0x20: {  	[sflag:s8] =	ssyncset.s32 @!p0 $0xFFFFF086;
	s6 =	sadd.s32 @!p0 s3, s7;
	s7 =	simm.s32 @!p0 $0x108  }
0x21: {  	s3 =	sadd.s32 s3, s9;
	s6 =	sadd.s32 @!p0 $0x88, s6;
	s7 =	simm.s32 @p2 $0x1082  }
0x22: {  	[simem:s7], [sflag:s8] =	dma.local @!p0 [hbm:s6], $0xF7A  }
0x23: {  	s9 =	sor.u32 $0xD0000000, s2;
	s6 =	simm.s32 $0x108;
	_ =	swait.ge @!p0 [sflag:s8], $0x0  }
0x24: {  	s3 =	sadd.s32 $0x88, s3;
	s6 =	simm.s32 @!p1 $0x1082;
	[sflag:s4] =	ssyncset.s32 $0xFFFFF086  }
0x25: {  	[simem:s6], [sflag:s4] =	dma.local [hbm:s3], $0xF7A  }
0x26: {  	[smem:$0x3F9D] =	sst s1;
	(tag) =	ssettag s2;
	_ =	strace s9  }
0x27: {  	s1 =	sld [smem:$0x3FAD]  }
0x28: {  	s2 =	sld [smem:$0x3FAE]  }
0x29: {  	s4 =	sld [smem:$0x3FB0]  }
0x2a: {  	p0 =	seq.s32 s5, $0x0;
	s5 =	sld [smem:$0x3FB1]  }
0x2b: {  	s6 =	sld [smem:$0x3FB2]  }
0x2c: {  	s7 =	sld [smem:$0x3FB3]  }
0x2d: {  	s3 =	simm.s32 $0x108;
	s8 =	sld [smem:$0x3FB4]  }
0x2e: {  	s3 =	simm.s32 @!p0 $0x1082;
	s9 =	sld [smem:$0x3FB5]  }
0x2f: {  	lr =	sadd.s32 s0, s3;
	s0 =	sld [smem:$0x3FAC]  }
0x30: {  	s3 =	sld [smem:$0x3FAF]  }
0x31: {  	[smem:$0x3FB8] =	sst s10  }
0x32: {  	s10 =	sld [smem:$0x3FB6];
	_ =	sdelay $0x3  }
0x33: {  	p0 =	seq.s32 s10, $0x1;
	s10 =	sld [smem:$0x3FB8];
	_ =	sdelay $0x3  }
0x34: {  	[smem:$0x3FB8] =	sst s10  }
0x35: {  	s10 =	sld [smem:$0x3FB7];
	_ =	sdelay $0x3  }
0x36: {  	p1 =	seq.s32 s10, $0x1;
	s10 =	sld [smem:$0x3FB8];
	_ =	sdelay $0x3  }
0x37: {  	[smem:$0x3FB8] =	sst s10  }
0x38: {  	s10 =	sld [smem:$0x3FB9]  }
0x39: {  	_ = 	snop;
	(pc) =	sbr.ind lr, $3  }
0x3a: {  	_ = 	snop  }
0x3b: {  	_ = 	snop  }
0x3c: {  	p2 =	seq.s32 s10, $0x1;
	s10 =	sld [smem:$0x3FB8]  }
0x3d: {  	_ =	shalt  }
0x3e: {  	_ =	shalt  }
0x3f: {  	_ =	shalt  }
0x40: {  	_ =	shalt  }
0x41: {  	_ =	shalt  }
0x42: {  	_ =	shalt  }
0x43: {  	_ =	shalt  }
0x44: {  	_ =	shalt  }
0x45: {  	_ =	shalt  }
0x46: {  	_ =	shalt  }
0x47: {  	_ =	shalt  }
0x48: {  	_ =	shalt  }
0x49: {  	_ =	shalt  }
0x4a: {  	_ =	shalt  }
0x4b: {  	_ =	shalt  }
0x4c: {  	_ =	shalt  }
0x4d: {  	_ =	shalt  }
0x4e: {  	_ =	shalt  }
0x4f: {  	_ =	shalt  }
0x50: {  	_ =	shalt  }
0x51: {  	_ =	shalt  }
0x52: {  	_ =	shalt  }
0x53: {  	_ =	shalt  }
0x54: {  	_ =	shalt  }
0x55: {  	_ =	shalt  }
0x56: {  	_ =	shalt  }
0x57: {  	_ =	shalt  }
0x58: {  	_ =	shalt  }
0x59: {  	_ =	shalt  }
0x5a: {  	_ =	shalt  }
0x5b: {  	_ =	shalt  }
0x5c: {  	_ =	shalt  }
0x5d: {  	_ =	shalt  }
0x5e: {  	_ =	shalt  }
0x5f: {  	_ =	shalt  }
0x60: {  	_ =	shalt  }
0x61: {  	_ =	shalt  }
0x62: {  	_ =	shalt  }
0x63: {  	_ =	shalt  }
0x64: {  	_ =	shalt  }
0x65: {  	_ =	shalt  }
0x66: {  	_ =	shalt  }
0x67: {  	_ =	shalt  }
0x68: {  	_ =	shalt  }
0x69: {  	_ =	shalt  }
0x6a: {  	_ =	shalt  }
0x6b: {  	_ =	shalt  }
0x6c: {  	_ =	shalt  }
0x6d: {  	_ =	shalt  }
0x6e: {  	_ =	shalt  }
0x6f: {  	_ =	shalt  }
0x70: {  	_ =	shalt  }
0x71: {  	_ =	shalt  }
0x72: {  	_ =	shalt  }
0x73: {  	_ =	shalt  }
0x74: {  	_ =	shalt  }
0x75: {  	_ =	shalt  }
0x76: {  	_ =	shalt  }
0x77: {  	_ =	shalt  }
0x78: {  	_ =	shalt  }
0x79: {  	_ =	shalt  }
0x7a: {  	_ =	shalt  }
0x7b: {  	_ =	shalt  }
0x7c: {  	_ =	shalt  }
0x7d: {  	_ =	shalt  }
0x7e: {  	_ =	shalt  }
0x7f: {  	_ =	shalt  }
0x80: {  	_ =	shalt  }
0x81: {  	_ =	shalt  }
0x82: {  	_ =	shalt  }
0x83: {  	_ =	shalt  }
0x84: {  	_ =	shalt  }
0x85: {  	_ =	shalt  }
0x86: {  	_ =	shalt  }
0x87: {  	_ =	shalt  }
.Lfunc_end0:
.L_simem_size_0:
called_computation.1_lowered:
.L_overlay_start_0:
0x88: {  	s2 =	sld [smem:$0x3FD9]  }
0x89: {  	s3 =	sld [smem:$0x3FFE];
	_ =	sdelay $0x1  }
0x8a: {  	s1 =	srdreg.scid  }
0x8b: {  	s0 =	sand.u32 $0x1, s1  }
0x8c: {  	s17 =	sshll.u32 s0, $0xA;
	s2 =	sadd.s32 s3, s2  }
0x8d: {  	s2 =	sadd.s32 s2, s17  }
0x8e: {  	[smem:$0x3FC4] =	sst s2  }
0x8f: {  	_ = 	snop  }
0x90: {  	s2 =	sld [smem:$0x3FD0];
	(tm) =	ssettm $0x1  }
0x91: {  	s18 =	sld [smem:$0x3FFB];
	_ =	sdelay $0x3  }
0x92: {  	_ =	strace s18  }
0x93: {  	s3 =	sld [smem:$0x3FFC];
	_ =	sdelay $0x3  }
0x94: {  	_ =	strace s3  }
0x95: {  	s3 =	sld [smem:$0x3FFD];
	_ =	sdelay $0x3  }
0x96: {  	_ =	strace s3  }
0x97: {  	_ =	strace $0x8FFFFFFF  }
0x98: {  	s19 =	sld [smem:$0x3FDB];
	_ =	sdelay $0x1  }
0x99: {  	s4 =	simm.s32 $_scs_section_size  }
0x9a: {  	s5 =	simm.s32 $_size__tile_overlayer_lowered;
	s6 =	simm.s32 $_tile_overlayer_lowered  }
0x9b: {  	s22 =	simm.s32 $0x1BFF;
	s21 =	sshll.u32 s6, $0x1;
	s3 =	sadd.s32 s4, s19  }
0x9c: {  	s7 =	simm.s32 $0x0;
	s20 =	sshll.u32 s5, $0x1;
	s5 =	sadd.s32 s21, s3  }
0x9d: {  	[timem:s7], [sflag:s22] =	dma.local [hbm:s5], s20  }
0x9e: {  	_ =	swait.ge [sflag:s22], s20  }
0x9f: {  	s4 =	ssub.s32 $0x0, s20;
	[sflag:s22] =	ssyncset.done $0x0  }
0xa0: {  	[sflag:s22] =	ssyncadd.s32 s4;
	_ =	sdelay $0x1  }
0xa1: {  	s23 =	simm.s32 $0x1B8B  }
0xa2: {  	_ =	swait.ge [sflag:s23], $0x1  }
0xa3: {  	[sflag:s23] =	ssyncset.done $0x0  }
0xa4: {  	s25 =	simm.s32 $0x1B8E;
	s24 =	sld [smem:$0x3FFE];
	[sflag:s23] =	ssyncadd.s32 $0xFFFFFFFF  }
0xa5: {  	s26 =	simm.s32 $execute0_lowered;
	[smem:$0x3FD2] =	sst s25  }
0xa6: {  	s5 =	sshll.u32 s26, $0x1;
	_ =	strace $0x80000049;
	[dreg:$0x1] =	wrdreg $0xFFFFFFFF  }
0xa7: {  	s28 =	simm.s32 $_size_execute0_lowered;
	s3 =	sadd.s32 s3, s5;
	[dreg:$0x0] =	wrdreg $0x0  }
0xa8: {  	s5 =	sshll.u32 s28, $0x1;
	[dreg:$0x2] =	wrdreg s3  }
0xa9: {  	[dreg:$0x3] =	wrdreg s5  }
0xaa: {  	[dreg:$0x4] =	wrdreg $0xC0  }
0xab: {  	_ =	task [dreg:s7], $0x5FFFF  }
0xac: {  	[dreg:$0x1] =	wrdreg $0xFFFFFFFF  }
0xad: {  	[dreg:$0x0] =	wrdreg $0x60  }
0xae: {  	[dreg:$0x2] =	wrdreg s24  }
0xaf: {  	[dreg:$0x3] =	wrdreg s2  }
0xb0: {  	[dreg:$0x4] =	wrdreg $0xAC000  }
0xb1: {  	[dreg:$0x5] =	wrdreg $0x9  }
0xb2: {  	_ =	task.clear_ibuf [dreg:s7], $0x6FFFF;
	_ =	strace $0x90000049  }
0xb3: {  	s29 =	simm.s32 $0x9;
	_ =	strace $0x8000004B  }
0xb4: {  	_ =	swait.ge [sflag:s29], $0x1  }
0xb5: {  	[sflag:s29] =	ssyncadd.s32 $0xFFFFFFFF  }
0xb6: {  	_ =	strace $0x9000004B  }
0xb7: {  	_ =	sfence  }
0xb8: {  	s30 =	sld [smem:$0x0];
	_ =	sdelay $0x2  }
0xb9: {  	s31 =	sshll.u32 s1, $0xD;
	s1 =	sshrl.u32 s1, $0x2  }
0xba: {  	s3 =	sand.u32 $0x4000, s31;
	s1 =	sadd.s32 s1, s30  }
0xbb: {  	s0 =	sor.u32 s3, s0;
	s1 =	sshll.u32 s1, $0x11  }
0xbc: {  	s0 =	sor.u32 s1, s0  }
0xbd: {  	s0 =	sadd.s32 $0x8F2B, s0  }
0xbe: {  	[sflag:s0] =	ssyncadd.remote.s32 $0x1  }
0xbf: {  	_ =	sfence.sel $0xFFFF  }
0xc0: {  	[dreg:$0x0] =	wrdreg $0xFFFFFFFF;
	(pc) =	sbr.abs _section_cstart, $3  }
0xc1: {  	[dreg:$0x1] =	wrdreg $0xFFFFFFFF  }
0xc2: {  	_ =	task.clear_ibuf [dreg:s7], $0x2FFFF;
	_ =	strace $0x9FFFFFFF  }
0xc3: {  	(tm) =	ssettm $0x7FFFFFFF  }
tec
execute0_lowered:
.L_overlay_start_1:
0x0: {  	(tag) =	ssettag $0x1  }
0x1: {  	s5 =	rddreg [dreg:$0x0]  }
0x2: {  	s11 =	rddreg [dreg:$0x1]  }
0x3: {  	s2 =	rddreg [dreg:$0x2]  }
0x4: {  	s0 =	rddreg [dreg:$0x3];
	s1 =	stileid.u32  }
0x5: {  	s4 =	srdreg.scid;
	s6 =	smul.u32 $0x2800, s1  }
0x6: {  	s3 =	simm.s32 $0x0;
	s18 =	simm.s32 $0x1;
	s9 =	smul.u32 $0x14000, s1  }
0x7: {  	s19 =	simm.s32 $0x6C00;
	s20 =	simm.s32 $0x2;
	s24 =	smul.u32 $0x50000, s1  }
0x8: {  	s21 =	simm.s32 $0x0;
	s7 =	sand.u32 $0x1, s4;
	s30 =	smul.u32 $0x2C00, s1  }
0x9: {  	[smem:$0x7FF] =	sst s3;
	s4 =	sadd.s32 $0xC200, s5;
	s31 =	smul.u32 $0x580, s1  }
0xa: {  	s10 =	sadd.s32 $0x6A00, s5;
	s29 =	sshll.u32 s1, $0x6;
	s8 =	smul.u32 $0x140000, s7  }
0xb: {  	_ =	strace $0x8000004A;
	s13 =	ssub.s32 $0x2, s7;
	s14 =	smul.u32 $0x28000, s7  }
0xc: {  	p0 =	seq.s32 s7, $0x0;
	s12 =	sshrl.u32 s6, $0x3;
	s25 =	sshrl.u32 s13, $0x1  }
0xd: {  	s26 =	sshrl.u32 s24, $0x2;
	s11 =	smov.u32 @p0 s10;
	s12 =	sadd.s32 s12, s5  }
0xe: {  	s8 =	sadd.s32 s9, s8;
	s13 =	ssub.s32 s13, s25;
	s16 =	sadd.s32 s26, s2  }
0xf: {  	s28 =	sadd.s32 s6, s14;
	s6 =	sor.u32 $0x1C03, s29;
	s14 =	simm.s32 $0x3  }
0x10: {  	s8 =	sshrl.u32 s8, $0x3;
	s7 =	sadd.s32 $0xC00, s12;
	s10 =	smax.u32 s13, $0x1  }
0x11: {  	s13 =	sshrl.u32 s16, $0x3;
	s15 =	sadd.s32 s8, s5;
	s8 =	sshrl.u32 s30, $0x3  }
0x12: {  	s16 =	simm.s32 $0x80;
	s5 =	sadd.s32 s4, s28;
	s17 =	sadd.s32 s11, s8  }
0x13: {  	s8 =	sadd.s32 $0xE80, s12;
	s9 =	sadd.s32 $0x5C200, s15;
	s11 =	sadd.s32 s11, s31  }
0x14: {  	s15 =	simm.s32 $0x1800;
	s12 =	sadd.s32 $0x280, s17;
	s17 =	simm.s32 $0x2C00  }
.LBB2_1:
0x15: {  	[spmem:s13], [sflag:s6] =	dma.local [hbm:s5], $0x2800  }
0x16: {  	_ =	swait.ge [sflag:s14], $0x2800  }
0x17: {  	[sflag:s14] =	ssyncset.done $0x0  }
0x18: {  	[sflag:s14] =	ssyncadd.s32 $0xFFFFD800  }
0x19: {  	[bflag:$0x0] =	sbarrier.arrive $0xFFFF  }
0x1a: {  	[tilespmem:s3], [sflag:$0x3] =	stream.linear.gather [hbm4b:s11+s3], $0x1800, $0x38;
	[tilespmem:$0x1EC00] =	vst v63  }
0x1b: {  	_ =	swait.ge [sflag:s14], $0x1800  }
0x1c: {  	[sflag:s14] =	ssyncset.done $0x0  }
0x1d: {  	[sflag:s14] =	ssyncadd.s32 $0xFFFFE800  }
0x1e: {  	[tilespmem:s15], [sflag:$0x3] =	stream.linear.gather [hbm4b:s7+s3], $0x1400, $0x38;
	[tilespmem:$0x1EC00] =	vst v63  }
0x1f: {  	_ =	swait.ge [sflag:s14], $0x1400  }
0x20: {  	[sflag:s14] =	ssyncset.done $0x0  }
0x21: {  	[sflag:s14] =	ssyncadd.s32 $0xFFFFEC00  }
0x22: {  	[tilespmem:s17], [sflag:$0x1] =	stream.indirect.gather [hbm4b:s4+s16], $0x80, s3, s16, $0xb8;
	[tilespmem:$0x1EC00] =	vst v63  }
0x23: {  	_ =	swait.ge [sflag:s18], $0x4000  }
0x24: {  	[sflag:s18] =	ssyncset.done $0x0  }
0x25: {  	s22 =	simm.s32 $0x80;
	[sflag:s18] =	ssyncadd.s32 $0xFFFFC000  }
0x26: {  	[tilespmem:s19], [sflag:$0x2] =	stream.indirect.gather [hbm4b:s4+s16], $0x80, s22, s16, $0xb8;
	[tilespmem:$0x1EC00] =	vst v63  }
0x27: {  	s29 =	simm.s32 $0x1800  }
0x28: {  	[spmem:s2] =	stream.indirect.scatter.add.f32 [tilespmem:s17], [sflag:$0x3], $0x80, s29, s16, $0xb8;
	[tilespmem:$0x1EC00] =	vst v63  }
0x29: {  	_ =	swait.ge [sflag:s14], $0x4000  }
0x2a: {  	[sflag:s14] =	ssyncset.done $0x0  }
0x2b: {  	[sflag:s14] =	ssyncadd.s32 $0xFFFFC000  }
0x2c: {  	_ =	swait.ge [sflag:s20], $0x4000  }
0x2d: {  	[sflag:s20] =	ssyncset.done $0x0  }
0x2e: {  	s30 =	simm.s32 $0x100;
	[sflag:s20] =	ssyncadd.s32 $0xFFFFC000  }
0x2f: {  	[tilespmem:s17], [sflag:$0x1] =	stream.indirect.gather [hbm4b:s4+s16], $0x80, s30, s16, $0xb8;
	[tilespmem:$0x1EC00] =	vst v63  }
0x30: {  	s31 =	simm.s32 $0x1880  }
0x31: {  	[spmem:s2] =	stream.indirect.scatter.add.f32 [tilespmem:s19], [sflag:$0x3], $0x80, s31, s16, $0xb8;
	[tilespmem:$0x1EC00] =	vst v63  }
0x32: {  	_ =	swait.ge [sflag:s14], $0x4000  }
0x33: {  	s22 =	simm.s32 $0x400;
	[sflag:s14] =	ssyncset.done $0x0  }
.LBB2_2:
0x34: {  	p0 =	sne.s32 s22, $0x4C00  }
0x35: {  	[sflag:s14] =	ssyncadd.s32 $0xFFFFC000;
	s23 =	smov.u32 s22;
	s22 =	sadd.s32 $0x400, s22  }
0x36: {  	_ = 	snop  }
0x37: {  	_ =	swait.ge [sflag:s18], $0x4000  }
0x38: {  	s23 =	sshra.s32 s23, $0x2;
	[sflag:s18] =	ssyncset.done $0x0  }
0x39: {  	s24 =	sadd.s32 $0x80, s23;
	[sflag:s18] =	ssyncadd.s32 $0xFFFFC000  }
0x3a: {  	[tilespmem:s19], [sflag:$0x2] =	stream.indirect.gather [hbm4b:s4+s16], $0x80, s24, s16, $0xb8;
	[tilespmem:$0x1EC00] =	vst v63  }
0x3b: {  	s24 =	sadd.s32 $0x1800, s23  }
0x3c: {  	[spmem:s2] =	stream.indirect.scatter.add.f32 [tilespmem:s17], [sflag:$0x3], $0x80, s24, s16, $0xb8;
	[tilespmem:$0x1EC00] =	vst v63  }
0x3d: {  	_ =	swait.ge [sflag:s14], $0x4000  }
0x3e: {  	[sflag:s14] =	ssyncset.done $0x0  }
0x3f: {  	[sflag:s14] =	ssyncadd.s32 $0xFFFFC000  }
0x40: {  	_ =	swait.ge [sflag:s20], $0x4000  }
0x41: {  	[sflag:s20] =	ssyncset.done $0x0  }
0x42: {  	s24 =	sadd.s32 $0x100, s23;
	[sflag:s20] =	ssyncadd.s32 $0xFFFFC000  }
0x43: {  	[tilespmem:s17], [sflag:$0x1] =	stream.indirect.gather [hbm4b:s4+s16], $0x80, s24, s16, $0xb8;
	[tilespmem:$0x1EC00] =	vst v63  }
.Ltmp0:
0x44: {  	_ = 	snop;
	(pc) =	sbr.rel @p0 .LBB2_2-.Ltmp0, $4  }
0x45: {  	s23 =	sadd.s32 $0x1880, s23  }
0x46: {  	[spmem:s2] =	stream.indirect.scatter.add.f32 [tilespmem:s19], [sflag:$0x3], $0x80, s23, s16, $0xb8;
	[tilespmem:$0x1EC00] =	vst v63  }
0x47: {  	_ =	swait.ge [sflag:s14], $0x4000  }
0x48: {  	[sflag:s14] =	ssyncset.done $0x0  }
0x49: {  	[sflag:s14] =	ssyncadd.s32 $0xFFFFC000  }
0x4a: {  	_ =	swait.ge [sflag:s18], $0x4000  }
0x4b: {  	[sflag:s18] =	ssyncset.done $0x0  }
0x4c: {  	s22 =	simm.s32 $0x0;
	[sflag:s18] =	ssyncadd.s32 $0xFFFFC000  }
0x4d: {  	[tilespmem:s22], [sflag:$0x3] =	stream.linear.gather [hbm4b:s12+s22], $0x1800, $0x38;
	[tilespmem:$0x1EC00] =	vst v63  }
0x4e: {  	_ =	swait.ge [sflag:s14], $0x1800  }
0x4f: {  	[sflag:s14] =	ssyncset.done $0x0  }
0x50: {  	[sflag:s14] =	ssyncadd.s32 $0xFFFFE800  }
0x51: {  	[tilespmem:s15], [sflag:$0x3] =	stream.linear.gather [hbm4b:s8+s22], $0x1400, $0x38;
	[tilespmem:$0x1EC00] =	vst v63  }
0x52: {  	_ =	swait.ge [sflag:s14], $0x1400  }
0x53: {  	[sflag:s14] =	ssyncset.done $0x0  }
0x54: {  	[sflag:s14] =	ssyncadd.s32 $0xFFFFEC00  }
0x55: {  	[tilespmem:s17], [sflag:$0x1] =	stream.indirect.gather [hbm4b:s4+s16], $0x80, s22, s16, $0xb8;
	[tilespmem:$0x1EC00] =	vst v63  }
0x56: {  	_ =	swait.ge [sflag:s18], $0x4000  }
0x57: {  	[sflag:s18] =	ssyncset.done $0x0  }
0x58: {  	s28 =	simm.s32 $0x80;
	[sflag:s18] =	ssyncadd.s32 $0xFFFFC000  }
0x59: {  	[tilespmem:s19], [sflag:$0x2] =	stream.indirect.gather [hbm4b:s4+s16], $0x80, s28, s16, $0xb8;
	[tilespmem:$0x1EC00] =	vst v63  }
0x5a: {  	s29 =	simm.s32 $0x1800  }
0x5b: {  	[spmem:s2] =	stream.indirect.scatter.add.f32 [tilespmem:s17], [sflag:$0x3], $0x80, s29, s16, $0xb8;
	[tilespmem:$0x1EC00] =	vst v63  }
0x5c: {  	_ =	swait.ge [sflag:s14], $0x4000  }
0x5d: {  	[sflag:s14] =	ssyncset.done $0x0  }
0x5e: {  	[sflag:s14] =	ssyncadd.s32 $0xFFFFC000  }
0x5f: {  	_ =	swait.ge [sflag:s20], $0x4000  }
0x60: {  	[sflag:s20] =	ssyncset.done $0x0  }
0x61: {  	s30 =	simm.s32 $0x100;
	[sflag:s20] =	ssyncadd.s32 $0xFFFFC000  }
0x62: {  	[tilespmem:s17], [sflag:$0x1] =	stream.indirect.gather [hbm4b:s4+s16], $0x80, s30, s16, $0xb8;
	[tilespmem:$0x1EC00] =	vst v63  }
0x63: {  	s31 =	simm.s32 $0x1880  }
0x64: {  	[spmem:s2] =	stream.indirect.scatter.add.f32 [tilespmem:s19], [sflag:$0x3], $0x80, s31, s16, $0xb8;
	[tilespmem:$0x1EC00] =	vst v63  }
0x65: {  	_ =	swait.ge [sflag:s14], $0x4000  }
0x66: {  	s22 =	simm.s32 $0x400;
	[sflag:s14] =	ssyncset.done $0x0  }
.LBB2_4:
0x67: {  	p0 =	sne.s32 s22, $0x4C00  }
0x68: {  	[sflag:s14] =	ssyncadd.s32 $0xFFFFC000;
	s23 =	smov.u32 s22;
	s22 =	sadd.s32 $0x400, s22  }
0x69: {  	_ = 	snop  }
0x6a: {  	_ =	swait.ge [sflag:s18], $0x4000  }
0x6b: {  	s23 =	sshra.s32 s23, $0x2;
	[sflag:s18] =	ssyncset.done $0x0  }
0x6c: {  	s24 =	sadd.s32 $0x80, s23;
	[sflag:s18] =	ssyncadd.s32 $0xFFFFC000  }
0x6d: {  	[tilespmem:s19], [sflag:$0x2] =	stream.indirect.gather [hbm4b:s4+s16], $0x80, s24, s16, $0xb8;
	[tilespmem:$0x1EC00] =	vst v63  }
0x6e: {  	s24 =	sadd.s32 $0x1800, s23  }
0x6f: {  	[spmem:s2] =	stream.indirect.scatter.add.f32 [tilespmem:s17], [sflag:$0x3], $0x80, s24, s16, $0xb8;
	[tilespmem:$0x1EC00] =	vst v63  }
0x70: {  	_ =	swait.ge [sflag:s14], $0x4000  }
0x71: {  	[sflag:s14] =	ssyncset.done $0x0  }
0x72: {  	[sflag:s14] =	ssyncadd.s32 $0xFFFFC000  }
0x73: {  	_ =	swait.ge [sflag:s20], $0x4000  }
0x74: {  	[sflag:s20] =	ssyncset.done $0x0  }
0x75: {  	s24 =	sadd.s32 $0x100, s23;
	[sflag:s20] =	ssyncadd.s32 $0xFFFFC000  }
0x76: {  	[tilespmem:s17], [sflag:$0x1] =	stream.indirect.gather [hbm4b:s4+s16], $0x80, s24, s16, $0xb8;
	[tilespmem:$0x1EC00] =	vst v63  }
.Ltmp1:
0x77: {  	_ = 	snop;
	(pc) =	sbr.rel @p0 .LBB2_4-.Ltmp1, $4  }
0x78: {  	s23 =	sadd.s32 $0x1880, s23  }
0x79: {  	[spmem:s2] =	stream.indirect.scatter.add.f32 [tilespmem:s19], [sflag:$0x3], $0x80, s23, s16, $0xb8;
	[tilespmem:$0x1EC00] =	vst v63  }
0x7a: {  	_ =	swait.ge [sflag:s14], $0x4000  }
0x7b: {  	[sflag:s14] =	ssyncset.done $0x0  }
0x7c: {  	[sflag:s14] =	ssyncadd.s32 $0xFFFFC000  }
0x7d: {  	_ =	swait.ge [sflag:s18], $0x4000  }
0x7e: {  	s21 =	sadd.s32 $0x1, s21;
	[sflag:s18] =	ssyncset.done $0x0  }
0x7f: {  	p0 =	sne.s32 s21, s10;
	[sflag:s18] =	ssyncadd.s32 $0xFFFFC000  }
.Ltmp2:
0x80: {  	[bflag:$0x0] =	sbarrier.arrive $0xFFFF;
	(pc) =	sbr.rel @p0 .LBB2_1-.Ltmp2, $4  }
0x81: {  	[hbm:s9], [sflag:s6] =	dma.local [spmem:s13], $0x2800  }
0x82: {  	_ =	swait.ge [sflag:s14], $0x2800  }
0x83: {  	[sflag:s14] =	ssyncset.done $0x0  }
0x84: {  	[sflag:s14] =	ssyncadd.s32 $0xFFFFD800  }
0x85: {  	_ =	sfence.sel $0x180000  }
0x86: {  	[bflag:$0x0] =	sbarrier.arrive $0xFFFF  }
0x87: {  	p0 =	sne.s32 s1, $0x0;
	_ =	strace $0x9000004A  }
0x88: {  	s0 =	sadd.s32 @!p0 $0x100000, s0;
	[bflag:$0x2] =	sbarrier.arrive $0xFFFF  }
0x89: {  	[sflag:s0] =	ssyncadd.tile.s32 @!p0 $0x1;
	_ =	shalt  }
.Lfunc_end2:
_tile_overlayer_lowered:
.L_overlay_start_2:
0x8a: {  	(tag) =	ssettag $0x2  }
0x8b: {  	s0 =	rddreg [dreg:$0x0];
	s2 =	stileid.u32  }
0x8c: {  	s1 =	rddreg [dreg:$0x1];
	p0 =	sne.s32 s2, $0x0  }
0x8d: {  	s3 =	rddreg [dreg:$0x2];
	[bflag:$0x3] =	sbarrier.arrive $0xFFFF;
	s2 =	simm.s32 @!p0 $0x1C03  }
0x8e: {  	[timem:s3], [sflag:s2] =	dma.local @!p0 [hbm:s0], s1  }
0x8f: {  	s0 =	simm.s32 @!p0 $0x3  }
0x90: {  	_ =	swait.ge @!p0 [sflag:s0], s1  }
0x91: {  	s1 =	ssub.s32 @!p0 $0x0, s1;
	[sflag:s0] =	ssyncset.done @!p0 $0x0  }
0x92: {  	[sflag:s0] =	ssyncadd.s32 @!p0 s1  }
0x93: {  	[bflag:$0x3] =	sbarrier.arrive $0xFFFF  }
0x94: {  	_ =	shalt  }

</sc_bundles>
